<compile_context>
chip_gen: v7x
topology: tpu7x:2x2x1
jax: 0.10.2.dev20260603
libtpu: 0.0.44.dev20260713+nightly
codegen_flags: <defaults>
</compile_context>

<pallas_src>
import functools

import jax
import jax.numpy as jnp
from jax import lax
from jax.experimental import pallas as pl
from jax.experimental.pallas import tpu as pltpu
from jax.experimental.pallas import tpu_sc as plsc

B = 16384
EMB_DIM = 128
PHYLO_DIM = 64
FUSED_IN = 320
NUM_PHYLO = 100

_NC = 2
_NS = 16
_NW = _NC * _NS
_BPW = B // _NW
_CH = 128

_CHUNK = 1024
_NCHUNK = B // _CHUNK
_NBUF = 6


def _sc_gather_body(species_hbm, sid_hbm, s_out, sidx_v, srows_v, sem):
    wid = lax.axis_index("s") * _NC + lax.axis_index("c")
    base = wid * _BPW
    pltpu.sync_copy(sid_hbm.at[pl.ds(base, _BPW)], sidx_v)
    gathers = []
    for j in range(_BPW // _CH):
        gathers.append(pltpu.async_copy(
            species_hbm.at[sidx_v.at[pl.ds(j * _CH, _CH)]],
            srows_v.at[pl.ds(j * _CH, _CH)], sem))
    for g in gathers:
        g.wait()
    pltpu.sync_copy(srows_v, s_out.at[pl.ds(base, _BPW)])


@functools.lru_cache(maxsize=None)
def _get_sc_gather():
    return pl.kernel(
        _sc_gather_body,
        out_type=jax.ShapeDtypeStruct((B, EMB_DIM), jnp.float32),
        mesh=plsc.VectorSubcoreMesh(core_axis_name="c", subcore_axis_name="s"),
        scratch_types=[
            pltpu.VMEM((_BPW,), jnp.int32),
            pltpu.VMEM((_BPW, EMB_DIM), jnp.float32),
            pltpu.SemaphoreType.DMA,
        ],
    )


def _tc_fuse_body(s_hbm, t_ref, phylo_ref, k_ref, p_ref, c_ref, o_ref,
                  w_ref, b_ref, out_hbm,
                  in_bufs, out_bufs, in_sems, out_sems):
    w = w_ref[...]
    ws = w[:, 0:EMB_DIM]
    wp = w[:, EMB_DIM:EMB_DIM + PHYLO_DIM]
    wt = w[:, EMB_DIM + PHYLO_DIM:FUSED_IN]
    dn = (((1,), (1,)), ((), ()))
    tax = jnp.concatenate([k_ref[0:1, :], p_ref[0:1, :],
                           c_ref[0:1, :], o_ref[0:1, :]], axis=1)
    c = lax.dot_general(tax, wt, dn,
                        preferred_element_type=jnp.float32) \
        + jnp.reshape(b_ref[...], (1, EMB_DIM))
    p = lax.dot_general(phylo_ref[...], wp, dn,
                        preferred_element_type=jnp.float32)

    def in_copy(ci):
        slot = ci % _NBUF
        return pltpu.make_async_copy(
            s_hbm.at[pl.ds(ci * _CHUNK, _CHUNK)], in_bufs.at[slot],
            in_sems.at[slot])

    def out_copy(ci):
        slot = ci % _NBUF
        return pltpu.make_async_copy(
            out_bufs.at[slot], out_hbm.at[pl.ds(ci * _CHUNK, _CHUNK)],
            out_sems.at[slot])

    for ci in range(_NBUF):
        in_copy(ci).start()
    for ci in range(_NCHUNK):
        slot = ci % _NBUF
        in_copy(ci).wait()
        t_row = jnp.reshape(t_ref[pl.ds(ci * _CHUNK, _CHUNK)], (1, _CHUNK))
        oht = (t_row == lax.broadcasted_iota(
            jnp.int32, (NUM_PHYLO, _CHUNK), 0)).astype(jnp.bfloat16)
        acc = lax.dot_general(in_bufs[slot].astype(jnp.bfloat16),
                              ws.astype(jnp.bfloat16), dn,
                              preferred_element_type=jnp.float32)
        acc += lax.dot_general(oht, p.astype(jnp.bfloat16),
                               (((0,), (0,)), ((), ())),
                               preferred_element_type=jnp.float32)
        if ci >= _NBUF:
            out_copy(ci - _NBUF).wait()
        out_bufs[slot] = acc + c
        out_copy(ci).start()
        if ci + _NBUF < _NCHUNK:
            in_copy(ci + _NBUF).start()
    for ci in range(_NCHUNK - _NBUF, _NCHUNK):
        out_copy(ci).wait()


_tc_fuse = pl.pallas_call(
    _tc_fuse_body,
    in_specs=[
        pl.BlockSpec(memory_space=pl.ANY),
        pl.BlockSpec((B,), lambda: (0,)),
        pl.BlockSpec((NUM_PHYLO, PHYLO_DIM), lambda: (0, 0)),
        pl.BlockSpec((10, 32), lambda: (0, 0)),
        pl.BlockSpec((20, 32), lambda: (0, 0)),
        pl.BlockSpec((30, 32), lambda: (0, 0)),
        pl.BlockSpec((50, 32), lambda: (0, 0)),
        pl.BlockSpec((EMB_DIM, FUSED_IN), lambda: (0, 0)),
        pl.BlockSpec((EMB_DIM,), lambda: (0,)),
    ],
    out_specs=pl.BlockSpec(memory_space=pl.ANY),
    out_shape=jax.ShapeDtypeStruct((B, EMB_DIM), jnp.float32),
    scratch_shapes=[
        pltpu.VMEM((_NBUF, _CHUNK, EMB_DIM), jnp.float32),
        pltpu.VMEM((_NBUF, _CHUNK, EMB_DIM), jnp.float32),
        pltpu.SemaphoreType.DMA((_NBUF,)),
        pltpu.SemaphoreType.DMA((_NBUF,)),
    ],
)


def kernel(species_ids, divergence_times, species_table, phylo_table,
           kingdom_table, phylum_table, class_table, order_table, W, b):
    ids = species_ids.astype(jnp.int32)
    s_rows = _get_sc_gather()(species_table, ids)
    times = divergence_times.astype(jnp.int32)
    return _tc_fuse(s_rows, times, phylo_table, kingdom_table,
                    phylum_table, class_table, order_table, W, b)

# --- scband reference (transcript-rebuilt; emitter-appended) ---
"""Pipeline reference for scband-species-embedding-74053826117685 (READ-ONLY COPY).

The authoritative reference and input builder live on the scoring server;
editing this copy changes nothing except your own understanding.
"""

import jax, jax.numpy as jnp
import numpy as np

B = 16384
NUM_SPECIES = 100000
EMB_DIM = 128
PHYLO_DIM = 64
FUSED_IN = EMB_DIM + PHYLO_DIM + 4 * 32  # 320


def setup_inputs(seed: int = 0) -> dict:
    key = jax.random.key(seed)
    ks = jax.random.split(key, 10)
    species_ids = jax.random.randint(ks[0], (B,), 0, NUM_SPECIES, dtype=jnp.int64 if jax.config.jax_enable_x64 else jnp.int32)
    divergence_times = jax.random.randint(ks[1], (B,), 0, 100, dtype=jnp.int64 if jax.config.jax_enable_x64 else jnp.int32)
    species_table = jax.random.normal(ks[2], (NUM_SPECIES, EMB_DIM), dtype=jnp.float32)
    phylo_table = jax.random.normal(ks[3], (100, PHYLO_DIM), dtype=jnp.float32)
    kingdom_table = jax.random.normal(ks[4], (10, 32), dtype=jnp.float32)
    phylum_table = jax.random.normal(ks[5], (20, 32), dtype=jnp.float32)
    class_table = jax.random.normal(ks[6], (30, 32), dtype=jnp.float32)
    order_table = jax.random.normal(ks[7], (50, 32), dtype=jnp.float32)
    W = jax.random.normal(ks[8], (EMB_DIM, FUSED_IN), dtype=jnp.float32) * (1.0 / np.sqrt(FUSED_IN))
    b = jax.random.normal(ks[9], (EMB_DIM,), dtype=jnp.float32) * 0.01
    return {
        'species_ids': species_ids,
        'divergence_times': divergence_times,
        'species_table': species_table,
        'phylo_table': phylo_table,
        'kingdom_table': kingdom_table,
        'phylum_table': phylum_table,
        'class_table': class_table,
        'order_table': order_table,
        'W': W,
        'b': b,
    }


def reference(species_ids, divergence_times, species_table, phylo_table,
              kingdom_table, phylum_table, class_table, order_table, W, b):
    # embedding gathers
    species_emb = jnp.take(species_table, species_ids, axis=0)
    phylo_emb = jnp.take(phylo_table, divergence_times, axis=0)
    # taxonomy is None in this configuration -> module builds zero indices
    zeros_idx = jnp.zeros_like(species_ids)
    kingdom_emb = jnp.take(kingdom_table, zeros_idx, axis=0)
    phylum_emb = jnp.take(phylum_table, zeros_idx, axis=0)
    class_emb = jnp.take(class_table, zeros_idx, axis=0)
    order_emb = jnp.take(order_table, zeros_idx, axis=0)
    combined = jnp.concatenate([species_emb, phylo_emb, kingdom_emb, phylum_emb, class_emb, order_emb], axis=-1)
    # nn.Linear: x @ W.T + b
    return combined @ W.T + b

if __name__ == "__main__":
    import jax
    _d = setup_inputs()
    print(jax.jit(kernel)(*tuple(_d.values())))

</pallas_src>

<mosaic_0001>
#map = affine_map<(d0, d1) -> (0, 0)>
#map1 = affine_map<(d0, d1) -> (0)>
module attributes {stable_mosaic.version = 14 : i64} {
  func.func @_sc_gather_body(%arg0: i32, %arg1: i32, %arg2: memref<100000x128xf32, #tpu.memory_space<hbm>>, %arg3: memref<16384xi32, #tpu.memory_space<hbm>>, %arg4: memref<16384x128xf32, #tpu.memory_space<hbm>>, %arg5: memref<512xi32, #tpu.memory_space<vmem>>, %arg6: memref<512x128xf32, #tpu.memory_space<vmem>>, %arg7: memref<!tpu.dma_semaphore, #tpu.memory_space<semaphore_mem>>) attributes {dimension_semantics = [#tpu.dimension_semantics<core_parallel>, #tpu.dimension_semantics<subcore_parallel>], iteration_bounds = array<i64: 2, 16>, scalar_prefetch = 0 : i64, scratch_operands = 3 : i64, tpu.core_type = #tpu.core_type<sc_vector_subcore>, window_params = [{transform_indices = #map}, {transform_indices = #map1}, {transform_indices = #map}]} {
    %mul3A = arith.constant 2 : i32
    %mul3A_0 = arith.muli %arg1, %mul3A : i32
    %add3A = arith.addi %mul3A_0, %arg0 : i32
    %mul3A_1 = arith.constant 512 : i32
    %mul3A_2 = arith.muli %add3A, %mul3A_1 : i32
    "tpu.region"() ({
      %run_scoped3A = tpu.sem_alloc : memref<!tpu.dma_semaphore, #tpu.memory_space<semaphore_mem>>
      %dma_start3A_65 = tpu.memref_slice %arg3[%mul3A_2] : memref<16384xi32, #tpu.memory_space<hbm>> -> memref<512xi32, #tpu.memory_space<hbm>>
      %dma_start3A_66 = tpu.memref_slice %arg3[%mul3A_2] : memref<16384xi32, #tpu.memory_space<hbm>> -> memref<512xi32, #tpu.memory_space<hbm>>
      tpu.enqueue_dma source(%dma_start3A_66 : memref<512xi32, #tpu.memory_space<hbm>>) target(%arg5 : memref<512xi32, #tpu.memory_space<vmem>>) target_semaphore(%run_scoped3A : memref<!tpu.dma_semaphore, #tpu.memory_space<semaphore_mem>>)
      %dma_wait3A_67 = tpu.memref_slice %arg3[%mul3A_2] : memref<16384xi32, #tpu.memory_space<hbm>> -> memref<512xi32, #tpu.memory_space<hbm>>
      %dma_wait3A_68 = tpu.memref_slice %arg3[%mul3A_2] : memref<16384xi32, #tpu.memory_space<hbm>> -> memref<512xi32, #tpu.memory_space<hbm>>
      tpu.wait_dma2 semaphore(%run_scoped3A : memref<!tpu.dma_semaphore, #tpu.memory_space<semaphore_mem>>) src(%dma_wait3A_68 : memref<512xi32, #tpu.memory_space<hbm>>) dst(%arg5 : memref<512xi32, #tpu.memory_space<vmem>>)
      tpu.yield
    }) : () -> ()
    %dma_start3A = arith.constant 0 : i32
    %dma_start3A_3 = arith.constant 0 : i32
    %dma_start3A_4 = tpu.memref_slice %arg6[%dma_start3A, %dma_start3A_3] : memref<512x128xf32, #tpu.memory_space<vmem>> -> memref<128x128xf32, #tpu.memory_space<vmem>>
    %dma_start3A_5 = arith.constant 0 : i32
    %dma_start3A_6 = tpu.memref_slice %arg5[%dma_start3A_5] : memref<512xi32, #tpu.memory_space<vmem>> -> memref<128xi32, #tpu.memory_space<vmem>>
    %dma_start3A_7 = arith.constant 0 : i32
    %dma_start3A_8 = arith.constant 0 : i32
    %dma_start3A_9 = tpu.memref_slice %arg2[%dma_start3A_7, %dma_start3A_8] : memref<100000x128xf32, #tpu.memory_space<hbm>> -> memref<100000x128xf32, #tpu.memory_space<hbm>>
    tpu.enqueue_indirect_dma source(%dma_start3A_9 : memref<100000x128xf32, #tpu.memory_space<hbm>>) target(%dma_start3A_4 : memref<128x128xf32, #tpu.memory_space<vmem>>) offsets(%dma_start3A_6 : memref<128xi32, #tpu.memory_space<vmem>>) semaphore(%arg7 : memref<!tpu.dma_semaphore, #tpu.memory_space<semaphore_mem>>)
    %dma_start3A_10 = arith.constant 128 : i32
    %dma_start3A_11 = arith.constant 0 : i32
    %dma_start3A_12 = tpu.memref_slice %arg6[%dma_start3A_10, %dma_start3A_11] : memref<512x128xf32, #tpu.memory_space<vmem>> -> memref<128x128xf32, #tpu.memory_space<vmem>>
    %dma_start3A_13 = arith.constant 128 : i32
    %dma_start3A_14 = tpu.memref_slice %arg5[%dma_start3A_13] : memref<512xi32, #tpu.memory_space<vmem>> -> memref<128xi32, #tpu.memory_space<vmem>>
    %dma_start3A_15 = arith.constant 0 : i32
    %dma_start3A_16 = arith.constant 0 : i32
    %dma_start3A_17 = tpu.memref_slice %arg2[%dma_start3A_15, %dma_start3A_16] : memref<100000x128xf32, #tpu.memory_space<hbm>> -> memref<100000x128xf32, #tpu.memory_space<hbm>>
    tpu.enqueue_indirect_dma source(%dma_start3A_17 : memref<100000x128xf32, #tpu.memory_space<hbm>>) target(%dma_start3A_12 : memref<128x128xf32, #tpu.memory_space<vmem>>) offsets(%dma_start3A_14 : memref<128xi32, #tpu.memory_space<vmem>>) semaphore(%arg7 : memref<!tpu.dma_semaphore, #tpu.memory_space<semaphore_mem>>)
    %dma_start3A_18 = arith.constant 256 : i32
    %dma_start3A_19 = arith.constant 0 : i32
    %dma_start3A_20 = tpu.memref_slice %arg6[%dma_start3A_18, %dma_start3A_19] : memref<512x128xf32, #tpu.memory_space<vmem>> -> memref<128x128xf32, #tpu.memory_space<vmem>>
    %dma_start3A_21 = arith.constant 256 : i32
    %dma_start3A_22 = tpu.memref_slice %arg5[%dma_start3A_21] : memref<512xi32, #tpu.memory_space<vmem>> -> memref<128xi32, #tpu.memory_space<vmem>>
    %dma_start3A_23 = arith.constant 0 : i32
    %dma_start3A_24 = arith.constant 0 : i32
    %dma_start3A_25 = tpu.memref_slice %arg2[%dma_start3A_23, %dma_start3A_24] : memref<100000x128xf32, #tpu.memory_space<hbm>> -> memref<100000x128xf32, #tpu.memory_space<hbm>>
    tpu.enqueue_indirect_dma source(%dma_start3A_25 : memref<100000x128xf32, #tpu.memory_space<hbm>>) target(%dma_start3A_20 : memref<128x128xf32, #tpu.memory_space<vmem>>) offsets(%dma_start3A_22 : memref<128xi32, #tpu.memory_space<vmem>>) semaphore(%arg7 : memref<!tpu.dma_semaphore, #tpu.memory_space<semaphore_mem>>)
    %dma_start3A_26 = arith.constant 384 : i32
    %dma_start3A_27 = arith.constant 0 : i32
    %dma_start3A_28 = tpu.memref_slice %arg6[%dma_start3A_26, %dma_start3A_27] : memref<512x128xf32, #tpu.memory_space<vmem>> -> memref<128x128xf32, #tpu.memory_space<vmem>>
    %dma_start3A_29 = arith.constant 384 : i32
    %dma_start3A_30 = tpu.memref_slice %arg5[%dma_start3A_29] : memref<512xi32, #tpu.memory_space<vmem>> -> memref<128xi32, #tpu.memory_space<vmem>>
    %dma_start3A_31 = arith.constant 0 : i32
    %dma_start3A_32 = arith.constant 0 : i32
    %dma_start3A_33 = tpu.memref_slice %arg2[%dma_start3A_31, %dma_start3A_32] : memref<100000x128xf32, #tpu.memory_space<hbm>> -> memref<100000x128xf32, #tpu.memory_space<hbm>>
    tpu.enqueue_indirect_dma source(%dma_start3A_33 : memref<100000x128xf32, #tpu.memory_space<hbm>>) target(%dma_start3A_28 : memref<128x128xf32, #tpu.memory_space<vmem>>) offsets(%dma_start3A_30 : memref<128xi32, #tpu.memory_space<vmem>>) semaphore(%arg7 : memref<!tpu.dma_semaphore, #tpu.memory_space<semaphore_mem>>)
    %dma_wait3A = arith.constant 0 : i32
    %dma_wait3A_34 = arith.constant 0 : i32
    %dma_wait3A_35 = tpu.memref_slice %arg6[%dma_wait3A, %dma_wait3A_34] : memref<512x128xf32, #tpu.memory_space<vmem>> -> memref<128x128xf32, #tpu.memory_space<vmem>>
    %dma_wait3A_36 = arith.constant 0 : i32
    %dma_wait3A_37 = tpu.memref_slice %arg5[%dma_wait3A_36] : memref<512xi32, #tpu.memory_space<vmem>> -> memref<128xi32, #tpu.memory_space<vmem>>
    %dma_wait3A_38 = arith.constant 0 : i32
    %dma_wait3A_39 = arith.constant 0 : i32
    %dma_wait3A_40 = tpu.memref_slice %arg2[%dma_wait3A_38, %dma_wait3A_39] : memref<100000x128xf32, #tpu.memory_space<hbm>> -> memref<100000x128xf32, #tpu.memory_space<hbm>>
    tpu.wait_indirect_dma semaphore(%arg7 : memref<!tpu.dma_semaphore, #tpu.memory_space<semaphore_mem>>) src(%dma_wait3A_40 : memref<100000x128xf32, #tpu.memory_space<hbm>>) dst(%dma_wait3A_35 : memref<128x128xf32, #tpu.memory_space<vmem>>)
    %dma_wait3A_41 = arith.constant 128 : i32
    %dma_wait3A_42 = arith.constant 0 : i32
    %dma_wait3A_43 = tpu.memref_slice %arg6[%dma_wait3A_41, %dma_wait3A_42] : memref<512x128xf32, #tpu.memory_space<vmem>> -> memref<128x128xf32, #tpu.memory_space<vmem>>
    %dma_wait3A_44 = arith.constant 128 : i32
    %dma_wait3A_45 = tpu.memref_slice %arg5[%dma_wait3A_44] : memref<512xi32, #tpu.memory_space<vmem>> -> memref<128xi32, #tpu.memory_space<vmem>>
    %dma_wait3A_46 = arith.constant 0 : i32
    %dma_wait3A_47 = arith.constant 0 : i32
    %dma_wait3A_48 = tpu.memref_slice %arg2[%dma_wait3A_46, %dma_wait3A_47] : memref<100000x128xf32, #tpu.memory_space<hbm>> -> memref<100000x128xf32, #tpu.memory_space<hbm>>
    tpu.wait_indirect_dma semaphore(%arg7 : memref<!tpu.dma_semaphore, #tpu.memory_space<semaphore_mem>>) src(%dma_wait3A_48 : memref<100000x128xf32, #tpu.memory_space<hbm>>) dst(%dma_wait3A_43 : memref<128x128xf32, #tpu.memory_space<vmem>>)
    %dma_wait3A_49 = arith.constant 256 : i32
    %dma_wait3A_50 = arith.constant 0 : i32
    %dma_wait3A_51 = tpu.memref_slice %arg6[%dma_wait3A_49, %dma_wait3A_50] : memref<512x128xf32, #tpu.memory_space<vmem>> -> memref<128x128xf32, #tpu.memory_space<vmem>>
    %dma_wait3A_52 = arith.constant 256 : i32
    %dma_wait3A_53 = tpu.memref_slice %arg5[%dma_wait3A_52] : memref<512xi32, #tpu.memory_space<vmem>> -> memref<128xi32, #tpu.memory_space<vmem>>
    %dma_wait3A_54 = arith.constant 0 : i32
    %dma_wait3A_55 = arith.constant 0 : i32
    %dma_wait3A_56 = tpu.memref_slice %arg2[%dma_wait3A_54, %dma_wait3A_55] : memref<100000x128xf32, #tpu.memory_space<hbm>> -> memref<100000x128xf32, #tpu.memory_space<hbm>>
    tpu.wait_indirect_dma semaphore(%arg7 : memref<!tpu.dma_semaphore, #tpu.memory_space<semaphore_mem>>) src(%dma_wait3A_56 : memref<100000x128xf32, #tpu.memory_space<hbm>>) dst(%dma_wait3A_51 : memref<128x128xf32, #tpu.memory_space<vmem>>)
    %dma_wait3A_57 = arith.constant 384 : i32
    %dma_wait3A_58 = arith.constant 0 : i32
    %dma_wait3A_59 = tpu.memref_slice %arg6[%dma_wait3A_57, %dma_wait3A_58] : memref<512x128xf32, #tpu.memory_space<vmem>> -> memref<128x128xf32, #tpu.memory_space<vmem>>
    %dma_wait3A_60 = arith.constant 384 : i32
    %dma_wait3A_61 = tpu.memref_slice %arg5[%dma_wait3A_60] : memref<512xi32, #tpu.memory_space<vmem>> -> memref<128xi32, #tpu.memory_space<vmem>>
    %dma_wait3A_62 = arith.constant 0 : i32
    %dma_wait3A_63 = arith.constant 0 : i32
    %dma_wait3A_64 = tpu.memref_slice %arg2[%dma_wait3A_62, %dma_wait3A_63] : memref<100000x128xf32, #tpu.memory_space<hbm>> -> memref<100000x128xf32, #tpu.memory_space<hbm>>
    tpu.wait_indirect_dma semaphore(%arg7 : memref<!tpu.dma_semaphore, #tpu.memory_space<semaphore_mem>>) src(%dma_wait3A_64 : memref<100000x128xf32, #tpu.memory_space<hbm>>) dst(%dma_wait3A_59 : memref<128x128xf32, #tpu.memory_space<vmem>>)
    "tpu.region"() ({
      %run_scoped3A = tpu.sem_alloc : memref<!tpu.dma_semaphore, #tpu.memory_space<semaphore_mem>>
      %dma_start3A_65 = arith.constant 0 : i32
      %dma_start3A_66 = tpu.memref_slice %arg4[%mul3A_2, %dma_start3A_65] : memref<16384x128xf32, #tpu.memory_space<hbm>> -> memref<512x128xf32, #tpu.memory_space<hbm>>
      %dma_start3A_67 = arith.constant 0 : i32
      %dma_start3A_68 = tpu.memref_slice %arg4[%mul3A_2, %dma_start3A_67] : memref<16384x128xf32, #tpu.memory_space<hbm>> -> memref<512x128xf32, #tpu.memory_space<hbm>>
      tpu.enqueue_dma source(%arg6 : memref<512x128xf32, #tpu.memory_space<vmem>>) target(%dma_start3A_68 : memref<512x128xf32, #tpu.memory_space<hbm>>) target_semaphore(%run_scoped3A : memref<!tpu.dma_semaphore, #tpu.memory_space<semaphore_mem>>)
      %dma_wait3A_69 = arith.constant 0 : i32
      %dma_wait3A_70 = tpu.memref_slice %arg4[%mul3A_2, %dma_wait3A_69] : memref<16384x128xf32, #tpu.memory_space<hbm>> -> memref<512x128xf32, #tpu.memory_space<hbm>>
      %dma_wait3A_71 = arith.constant 0 : i32
      %dma_wait3A_72 = tpu.memref_slice %arg4[%mul3A_2, %dma_wait3A_71] : memref<16384x128xf32, #tpu.memory_space<hbm>> -> memref<512x128xf32, #tpu.memory_space<hbm>>
      tpu.wait_dma2 semaphore(%run_scoped3A : memref<!tpu.dma_semaphore, #tpu.memory_space<semaphore_mem>>) src(%arg6 : memref<512x128xf32, #tpu.memory_space<vmem>>) dst(%dma_wait3A_72 : memref<512x128xf32, #tpu.memory_space<hbm>>)
      tpu.yield
    }) : () -> ()
    return
  }
}

module attributes {stable_mosaic.version = 14 : i64} {
  func.func @_tc_fuse_body(%arg0: memref<16384x128xf32, #tpu.memory_space<any>>, %arg1: memref<16384xi32, #tpu.memory_space<vmem>>, %arg2: memref<100x64xf32, #tpu.memory_space<vmem>>, %arg3: memref<10x32xf32, #tpu.memory_space<vmem>>, %arg4: memref<20x32xf32, #tpu.memory_space<vmem>>, %arg5: memref<30x32xf32, #tpu.memory_space<vmem>>, %arg6: memref<50x32xf32, #tpu.memory_space<vmem>>, %arg7: memref<128x320xf32, #tpu.memory_space<vmem>>, %arg8: memref<128xf32, #tpu.memory_space<vmem>>, %arg9: memref<16384x128xf32, #tpu.memory_space<any>>, %arg10: memref<6x1024x128xf32, #tpu.memory_space<vmem>>, %arg11: memref<6x1024x128xf32, #tpu.memory_space<vmem>>, %arg12: memref<6x!tpu.dma_semaphore, #tpu.memory_space<semaphore_mem>>, %arg13: memref<6x!tpu.dma_semaphore, #tpu.memory_space<semaphore_mem>>) attributes {dimension_semantics = [], scalar_prefetch = 0 : i64, scratch_operands = 4 : i64, tpu.core_type = #tpu.core_type<tc>} {
    %get3A = arith.constant 0 : index
    %get3A_0 = arith.constant 0 : index
    %get3A_1 = vector.load %arg7[%get3A, %get3A_0] : memref<128x320xf32, #tpu.memory_space<vmem>>, vector<128x320xf32>
    %slice3A = vector.extract_strided_slice %get3A_1 {offsets = [0, 0], sizes = [128, 128], strides = [1, 1]} : vector<128x320xf32> to vector<128x128xf32>
    %slice3A_2 = vector.extract_strided_slice %get3A_1 {offsets = [0, 128], sizes = [128, 64], strides = [1, 1]} : vector<128x320xf32> to vector<128x64xf32>
    %slice3A_3 = vector.extract_strided_slice %get3A_1 {offsets = [0, 192], sizes = [128, 128], strides = [1, 1]} : vector<128x320xf32> to vector<128x128xf32>
    %get3A_4 = arith.constant 0 : index
    %get3A_5 = arith.constant 0 : index
    %get3A_6 = vector.load %arg3[%get3A_4, %get3A_5] : memref<10x32xf32, #tpu.memory_space<vmem>>, vector<1x32xf32>
    %get3A_7 = arith.constant 0 : index
    %get3A_8 = arith.constant 0 : index
    %get3A_9 = vector.load %arg4[%get3A_7, %get3A_8] : memref<20x32xf32, #tpu.memory_space<vmem>>, vector<1x32xf32>
    %get3A_10 = arith.constant 0 : index
    %get3A_11 = arith.constant 0 : index
    %get3A_12 = vector.load %arg5[%get3A_10, %get3A_11] : memref<30x32xf32, #tpu.memory_space<vmem>>, vector<1x32xf32>
    %get3A_13 = arith.constant 0 : index
    %get3A_14 = arith.constant 0 : index
    %get3A_15 = vector.load %arg6[%get3A_13, %get3A_14] : memref<50x32xf32, #tpu.memory_space<vmem>>, vector<1x32xf32>
    %concatenate3A = tpu.concatenate %get3A_6, %get3A_9, %get3A_12, %get3A_15 in 1 : vector<1x32xf32>, vector<1x32xf32>, vector<1x32xf32>, vector<1x32xf32> -> vector<1x128xf32>
    %dot_general3A = arith.constant dense<0.000000e+00> : vector<1x128xf32>
    %dot_general3A_16 = tpu.matmul %concatenate3A, %slice3A_3, %dot_general3A {dimension_numbers = #tpu.dot_dimension_numbers<[1], [1], [0], [0], [0, 0, 1, 0], [], []>, transpose_lhs_hint = false} : vector<1x128xf32>, vector<128x128xf32>, vector<1x128xf32> -> vector<1x128xf32>
    %get3A_17 = arith.constant 0 : index
    %get3A_18 = vector.load %arg8[%get3A_17] : memref<128xf32, #tpu.memory_space<vmem>>, vector<128xf32>
    %reshape3A = vector.shape_cast %get3A_18 : vector<128xf32> to vector<1x128xf32>
    %add3A = arith.addf %dot_general3A_16, %reshape3A : vector<1x128xf32>
    %get3A_19 = arith.constant 0 : index
    %get3A_20 = arith.constant 0 : index
    %get3A_21 = vector.load %arg2[%get3A_19, %get3A_20] : memref<100x64xf32, #tpu.memory_space<vmem>>, vector<100x64xf32>
    %dot_general3A_22 = arith.constant dense<0.000000e+00> : vector<100x128xf32>
    %dot_general3A_23 = tpu.matmul %get3A_21, %slice3A_2, %dot_general3A_22 {dimension_numbers = #tpu.dot_dimension_numbers<[1], [1], [0], [0], [0, 0, 1, 0], [], []>, transpose_lhs_hint = false} : vector<100x64xf32>, vector<128x64xf32>, vector<100x128xf32> -> vector<100x128xf32>
    %dma_start3A = arith.constant 0 : i32
    %dma_start3A_24 = arith.constant 0 : i32
    %dma_start3A_25 = tpu.memref_slice %arg12[%dma_start3A_24] : memref<6x!tpu.dma_semaphore, #tpu.memory_space<semaphore_mem>> -> memref<1x!tpu.dma_semaphore, #tpu.memory_space<semaphore_mem>>
    %dma_start3A_26 = tpu.memref_squeeze %dma_start3A_25 : memref<1x!tpu.dma_semaphore, #tpu.memory_space<semaphore_mem>> -> memref<!tpu.dma_semaphore, #tpu.memory_space<semaphore_mem>>
    %dma_start3A_27 = arith.constant 0 : i32
    %dma_start3A_28 = arith.constant 0 : i32
    %dma_start3A_29 = tpu.memref_slice %arg10[%dma_start3A, %dma_start3A_27, %dma_start3A_28] : memref<6x1024x128xf32, #tpu.memory_space<vmem>> -> memref<1x1024x128xf32, #tpu.memory_space<vmem>>
    %dma_start3A_30 = tpu.memref_squeeze %dma_start3A_29 : memref<1x1024x128xf32, #tpu.memory_space<vmem>> -> memref<1024x128xf32, #tpu.memory_space<vmem>>
    %dma_start3A_31 = arith.constant 0 : i32
    %dma_start3A_32 = arith.constant 0 : i32
    %dma_start3A_33 = tpu.memref_slice %arg0[%dma_start3A_31, %dma_start3A_32] : memref<16384x128xf32, #tpu.memory_space<any>> -> memref<1024x128xf32, #tpu.memory_space<any>>
    tpu.enqueue_dma source(%dma_start3A_33 : memref<1024x128xf32, #tpu.memory_space<any>>) target(%dma_start3A_30 : memref<1024x128xf32, #tpu.memory_space<vmem>>) target_semaphore(%dma_start3A_26 : memref<!tpu.dma_semaphore, #tpu.memory_space<semaphore_mem>>)
    %dma_start3A_34 = arith.constant 1 : i32
    %dma_start3A_35 = arith.constant 1 : i32
    %dma_start3A_36 = tpu.memref_slice %arg12[%dma_start3A_35] : memref<6x!tpu.dma_semaphore, #tpu.memory_space<semaphore_mem>> -> memref<1x!tpu.dma_semaphore, #tpu.memory_space<semaphore_mem>>
    %dma_start3A_37 = tpu.memref_squeeze %dma_start3A_36 : memref<1x!tpu.dma_semaphore, #tpu.memory_space<semaphore_mem>> -> memref<!tpu.dma_semaphore, #tpu.memory_space<semaphore_mem>>
    %dma_start3A_38 = arith.constant 0 : i32
    %dma_start3A_39 = arith.constant 0 : i32
    %dma_start3A_40 = tpu.memref_slice %arg10[%dma_start3A_34, %dma_start3A_38, %dma_start3A_39] : memref<6x1024x128xf32, #tpu.memory_space<vmem>> -> memref<1x1024x128xf32, #tpu.memory_space<vmem>>
    %dma_start3A_41 = tpu.memref_squeeze %dma_start3A_40 : memref<1x1024x128xf32, #tpu.memory_space<vmem>> -> memref<1024x128xf32, #tpu.memory_space<vmem>>
    %dma_start3A_42 = arith.constant 1024 : i32
    %dma_start3A_43 = arith.constant 0 : i32
    %dma_start3A_44 = tpu.memref_slice %arg0[%dma_start3A_42, %dma_start3A_43] : memref<16384x128xf32, #tpu.memory_space<any>> -> memref<1024x128xf32, #tpu.memory_space<any>>
    tpu.enqueue_dma source(%dma_start3A_44 : memref<1024x128xf32, #tpu.memory_space<any>>) target(%dma_start3A_41 : memref<1024x128xf32, #tpu.memory_space<vmem>>) target_semaphore(%dma_start3A_37 : memref<!tpu.dma_semaphore, #tpu.memory_space<semaphore_mem>>)
    %dma_start3A_45 = arith.constant 2 : i32
    %dma_start3A_46 = arith.constant 2 : i32
    %dma_start3A_47 = tpu.memref_slice %arg12[%dma_start3A_46] : memref<6x!tpu.dma_semaphore, #tpu.memory_space<semaphore_mem>> -> memref<1x!tpu.dma_semaphore, #tpu.memory_space<semaphore_mem>>
    %dma_start3A_48 = tpu.memref_squeeze %dma_start3A_47 : memref<1x!tpu.dma_semaphore, #tpu.memory_space<semaphore_mem>> -> memref<!tpu.dma_semaphore, #tpu.memory_space<semaphore_mem>>
    %dma_start3A_49 = arith.constant 0 : i32
    %dma_start3A_50 = arith.constant 0 : i32
    %dma_start3A_51 = tpu.memref_slice %arg10[%dma_start3A_45, %dma_start3A_49, %dma_start3A_50] : memref<6x1024x128xf32, #tpu.memory_space<vmem>> -> memref<1x1024x128xf32, #tpu.memory_space<vmem>>
    %dma_start3A_52 = tpu.memref_squeeze %dma_start3A_51 : memref<1x1024x128xf32, #tpu.memory_space<vmem>> -> memref<1024x128xf32, #tpu.memory_space<vmem>>
    %dma_start3A_53 = arith.constant 2048 : i32
    %dma_start3A_54 = arith.constant 0 : i32
    %dma_start3A_55 = tpu.memref_slice %arg0[%dma_start3A_53, %dma_start3A_54] : memref<16384x128xf32, #tpu.memory_space<any>> -> memref<1024x128xf32, #tpu.memory_space<any>>
    tpu.enqueue_dma source(%dma_start3A_55 : memref<1024x128xf32, #tpu.memory_space<any>>) target(%dma_start3A_52 : memref<1024x128xf32, #tpu.memory_space<vmem>>) target_semaphore(%dma_start3A_48 : memref<!tpu.dma_semaphore, #tpu.memory_space<semaphore_mem>>)
    %dma_start3A_56 = arith.constant 3 : i32
    %dma_start3A_57 = arith.constant 3 : i32
    %dma_start3A_58 = tpu.memref_slice %arg12[%dma_start3A_57] : memref<6x!tpu.dma_semaphore, #tpu.memory_space<semaphore_mem>> -> memref<1x!tpu.dma_semaphore, #tpu.memory_space<semaphore_mem>>
    %dma_start3A_59 = tpu.memref_squeeze %dma_start3A_58 : memref<1x!tpu.dma_semaphore, #tpu.memory_space<semaphore_mem>> -> memref<!tpu.dma_semaphore, #tpu.memory_space<semaphore_mem>>
    %dma_start3A_60 = arith.constant 0 : i32
    %dma_start3A_61 = arith.constant 0 : i32
    %dma_start3A_62 = tpu.memref_slice %arg10[%dma_start3A_56, %dma_start3A_60, %dma_start3A_61] : memref<6x1024x128xf32, #tpu.memory_space<vmem>> -> memref<1x1024x128xf32, #tpu.memory_space<vmem>>
    %dma_start3A_63 = tpu.memref_squeeze %dma_start3A_62 : memref<1x1024x128xf32, #tpu.memory_space<vmem>> -> memref<1024x128xf32, #tpu.memory_space<vmem>>
    %dma_start3A_64 = arith.constant 3072 : i32
    %dma_start3A_65 = arith.constant 0 : i32
    %dma_start3A_66 = tpu.memref_slice %arg0[%dma_start3A_64, %dma_start3A_65] : memref<16384x128xf32, #tpu.memory_space<any>> -> memref<1024x128xf32, #tpu.memory_space<any>>
    tpu.enqueue_dma source(%dma_start3A_66 : memref<1024x128xf32, #tpu.memory_space<any>>) target(%dma_start3A_63 : memref<1024x128xf32, #tpu.memory_space<vmem>>) target_semaphore(%dma_start3A_59 : memref<!tpu.dma_semaphore, #tpu.memory_space<semaphore_mem>>)
    %dma_start3A_67 = arith.constant 4 : i32
    %dma_start3A_68 = arith.constant 4 : i32
    %dma_start3A_69 = tpu.memref_slice %arg12[%dma_start3A_68] : memref<6x!tpu.dma_semaphore, #tpu.memory_space<semaphore_mem>> -> memref<1x!tpu.dma_semaphore, #tpu.memory_space<semaphore_mem>>
    %dma_start3A_70 = tpu.memref_squeeze %dma_start3A_69 : memref<1x!tpu.dma_semaphore, #tpu.memory_space<semaphore_mem>> -> memref<!tpu.dma_semaphore, #tpu.memory_space<semaphore_mem>>
    %dma_start3A_71 = arith.constant 0 : i32
    %dma_start3A_72 = arith.constant 0 : i32
    %dma_start3A_73 = tpu.memref_slice %arg10[%dma_start3A_67, %dma_start3A_71, %dma_start3A_72] : memref<6x1024x128xf32, #tpu.memory_space<vmem>> -> memref<1x1024x128xf32, #tpu.memory_space<vmem>>
    %dma_start3A_74 = tpu.memref_squeeze %dma_start3A_73 : memref<1x1024x128xf32, #tpu.memory_space<vmem>> -> memref<1024x128xf32, #tpu.memory_space<vmem>>
    %dma_start3A_75 = arith.constant 4096 : i32
    %dma_start3A_76 = arith.constant 0 : i32
    %dma_start3A_77 = tpu.memref_slice %arg0[%dma_start3A_75, %dma_start3A_76] : memref<16384x128xf32, #tpu.memory_space<any>> -> memref<1024x128xf32, #tpu.memory_space<any>>
    tpu.enqueue_dma source(%dma_start3A_77 : memref<1024x128xf32, #tpu.memory_space<any>>) target(%dma_start3A_74 : memref<1024x128xf32, #tpu.memory_space<vmem>>) target_semaphore(%dma_start3A_70 : memref<!tpu.dma_semaphore, #tpu.memory_space<semaphore_mem>>)
    %dma_start3A_78 = arith.constant 5 : i32
    %dma_start3A_79 = arith.constant 5 : i32
    %dma_start3A_80 = tpu.memref_slice %arg12[%dma_start3A_79] : memref<6x!tpu.dma_semaphore, #tpu.memory_space<semaphore_mem>> -> memref<1x!tpu.dma_semaphore, #tpu.memory_space<semaphore_mem>>
    %dma_start3A_81 = tpu.memref_squeeze %dma_start3A_80 : memref<1x!tpu.dma_semaphore, #tpu.memory_space<semaphore_mem>> -> memref<!tpu.dma_semaphore, #tpu.memory_space<semaphore_mem>>
    %dma_start3A_82 = arith.constant 0 : i32
    %dma_start3A_83 = arith.constant 0 : i32
    %dma_start3A_84 = tpu.memref_slice %arg10[%dma_start3A_78, %dma_start3A_82, %dma_start3A_83] : memref<6x1024x128xf32, #tpu.memory_space<vmem>> -> memref<1x1024x128xf32, #tpu.memory_space<vmem>>
    %dma_start3A_85 = tpu.memref_squeeze %dma_start3A_84 : memref<1x1024x128xf32, #tpu.memory_space<vmem>> -> memref<1024x128xf32, #tpu.memory_space<vmem>>
    %dma_start3A_86 = arith.constant 5120 : i32
    %dma_start3A_87 = arith.constant 0 : i32
    %dma_start3A_88 = tpu.memref_slice %arg0[%dma_start3A_86, %dma_start3A_87] : memref<16384x128xf32, #tpu.memory_space<any>> -> memref<1024x128xf32, #tpu.memory_space<any>>
    tpu.enqueue_dma source(%dma_start3A_88 : memref<1024x128xf32, #tpu.memory_space<any>>) target(%dma_start3A_85 : memref<1024x128xf32, #tpu.memory_space<vmem>>) target_semaphore(%dma_start3A_81 : memref<!tpu.dma_semaphore, #tpu.memory_space<semaphore_mem>>)
    %dma_wait3A = arith.constant 0 : i32
    %dma_wait3A_89 = arith.constant 0 : i32
    %dma_wait3A_90 = tpu.memref_slice %arg12[%dma_wait3A_89] : memref<6x!tpu.dma_semaphore, #tpu.memory_space<semaphore_mem>> -> memref<1x!tpu.dma_semaphore, #tpu.memory_space<semaphore_mem>>
    %dma_wait3A_91 = tpu.memref_squeeze %dma_wait3A_90 : memref<1x!tpu.dma_semaphore, #tpu.memory_space<semaphore_mem>> -> memref<!tpu.dma_semaphore, #tpu.memory_space<semaphore_mem>>
    %dma_wait3A_92 = arith.constant 0 : i32
    %dma_wait3A_93 = arith.constant 0 : i32
    %dma_wait3A_94 = tpu.memref_slice %arg10[%dma_wait3A, %dma_wait3A_92, %dma_wait3A_93] : memref<6x1024x128xf32, #tpu.memory_space<vmem>> -> memref<1x1024x128xf32, #tpu.memory_space<vmem>>
    %dma_wait3A_95 = tpu.memref_squeeze %dma_wait3A_94 : memref<1x1024x128xf32, #tpu.memory_space<vmem>> -> memref<1024x128xf32, #tpu.memory_space<vmem>>
    %dma_wait3A_96 = arith.constant 0 : i32
    %dma_wait3A_97 = arith.constant 0 : i32
    %dma_wait3A_98 = tpu.memref_slice %arg0[%dma_wait3A_96, %dma_wait3A_97] : memref<16384x128xf32, #tpu.memory_space<any>> -> memref<1024x128xf32, #tpu.memory_space<any>>
    tpu.wait_dma2 semaphore(%dma_wait3A_91 : memref<!tpu.dma_semaphore, #tpu.memory_space<semaphore_mem>>) src(%dma_wait3A_98 : memref<1024x128xf32, #tpu.memory_space<any>>) dst(%dma_wait3A_95 : memref<1024x128xf32, #tpu.memory_space<vmem>>)
    %get3A_99 = arith.constant 0 : index
    %get3A_100 = vector.load %arg1[%get3A_99] : memref<16384xi32, #tpu.memory_space<vmem>>, vector<1024xi32>
    %reshape3A_101 = vector.shape_cast %get3A_100 : vector<1024xi32> to vector<1x1024xi32>
    %iota3A = tpu.iota {dimensions = array<i32: 0>} : vector<100x1024xi32>
    %eq3A = vector.broadcast %reshape3A_101 : vector<1x1024xi32> to vector<100x1024xi32>
    %eq3A_102 = arith.cmpi eq, %eq3A, %iota3A : vector<100x1024xi32>
    %convert_element_type3A = arith.extui %eq3A_102 : vector<100x1024xi1> to vector<100x1024xi32>
    %convert_element_type3A_103 = arith.sitofp %convert_element_type3A : vector<100x1024xi32> to vector<100x1024xf32>
    %convert_element_type3A_104 = arith.truncf %convert_element_type3A_103 : vector<100x1024xf32> to vector<100x1024xbf16>
    %get3A_105 = arith.constant 0 : index
    %get3A_106 = arith.constant 0 : index
    %get3A_107 = arith.constant 0 : index
    %get3A_108 = vector.load %arg10[%get3A_105, %get3A_106, %get3A_107] : memref<6x1024x128xf32, #tpu.memory_space<vmem>>, vector<1x1024x128xf32>
    %get3A_109 = vector.shape_cast %get3A_108 : vector<1x1024x128xf32> to vector<1024x128xf32>
    %convert_element_type3A_110 = arith.truncf %get3A_109 : vector<1024x128xf32> to vector<1024x128xbf16>
    %convert_element_type3A_111 = arith.truncf %slice3A : vector<128x128xf32> to vector<128x128xbf16>
    %dot_general3A_112 = arith.constant dense<0.000000e+00> : vector<1024x128xf32>
    %dot_general3A_113 = tpu.matmul %convert_element_type3A_110, %convert_element_type3A_111, %dot_general3A_112 {dimension_numbers = #tpu.dot_dimension_numbers<[1], [1], [0], [0], [0, 0, 1, 0], [], []>, transpose_lhs_hint = false} : vector<1024x128xbf16>, vector<128x128xbf16>, vector<1024x128xf32> -> vector<1024x128xf32>
    %convert_element_type3A_114 = arith.truncf %dot_general3A_23 : vector<100x128xf32> to vector<100x128xbf16>
    %dot_general3A_115 = arith.constant dense<0.000000e+00> : vector<1024x128xf32>
    %dot_general3A_116 = tpu.matmul %convert_element_type3A_104, %convert_element_type3A_114, %dot_general3A_115 {dimension_numbers = #tpu.dot_dimension_numbers<[0], [0], [1], [1], [0, 1, 1, 1], [], []>, transpose_lhs_hint = false} : vector<100x1024xbf16>, vector<100x128xbf16>, vector<1024x128xf32> -> vector<1024x128xf32>
    %add3A_117 = arith.addf %dot_general3A_113, %dot_general3A_116 : vector<1024x128xf32>
    %add3A_118 = vector.broadcast %add3A : vector<1x128xf32> to vector<1024x128xf32>
    %add3A_119 = arith.addf %add3A_117, %add3A_118 : vector<1024x128xf32>
    %swap3A = arith.constant 0 : index
    %swap3A_120 = arith.constant 0 : index
    %swap3A_121 = arith.constant 0 : index
    %swap3A_122 = vector.load %arg11[%swap3A, %swap3A_120, %swap3A_121] : memref<6x1024x128xf32, #tpu.memory_space<vmem>>, vector<1x1024x128xf32>
    %swap3A_123 = vector.shape_cast %swap3A_122 : vector<1x1024x128xf32> to vector<1024x128xf32>
    %swap3A_124 = vector.shape_cast %add3A_119 : vector<1024x128xf32> to vector<1x1024x128xf32>
    tpu.vector_store %arg11[%swap3A, %swap3A_120, %swap3A_121], %swap3A_124 {strides = array<i32>} : memref<6x1024x128xf32, #tpu.memory_space<vmem>>, vector<1x1024x128xf32>,
    %dma_start3A_125 = arith.constant 0 : i32
    %dma_start3A_126 = arith.constant 0 : i32
    %dma_start3A_127 = tpu.memref_slice %arg13[%dma_start3A_126] : memref<6x!tpu.dma_semaphore, #tpu.memory_space<semaphore_mem>> -> memref<1x!tpu.dma_semaphore, #tpu.memory_space<semaphore_mem>>
    %dma_start3A_128 = tpu.memref_squeeze %dma_start3A_127 : memref<1x!tpu.dma_semaphore, #tpu.memory_space<semaphore_mem>> -> memref<!tpu.dma_semaphore, #tpu.memory_space<semaphore_mem>>
    %dma_start3A_129 = arith.constant 0 : i32
    %dma_start3A_130 = arith.constant 0 : i32
    %dma_start3A_131 = tpu.memref_slice %arg9[%dma_start3A_129, %dma_start3A_130] : memref<16384x128xf32, #tpu.memory_space<any>> -> memref<1024x128xf32, #tpu.memory_space<any>>
    %dma_start3A_132 = arith.constant 0 : i32
    %dma_start3A_133 = arith.constant 0 : i32
    %dma_start3A_134 = tpu.memref_slice %arg11[%dma_start3A_125, %dma_start3A_132, %dma_start3A_133] : memref<6x1024x128xf32, #tpu.memory_space<vmem>> -> memref<1x1024x128xf32, #tpu.memory_space<vmem>>
    %dma_start3A_135 = tpu.memref_squeeze %dma_start3A_134 : memref<1x1024x128xf32, #tpu.memory_space<vmem>> -> memref<1024x128xf32, #tpu.memory_space<vmem>>
    tpu.enqueue_dma source(%dma_start3A_135 : memref<1024x128xf32, #tpu.memory_space<vmem>>) target(%dma_start3A_131 : memref<1024x128xf32, #tpu.memory_space<any>>) target_semaphore(%dma_start3A_128 : memref<!tpu.dma_semaphore, #tpu.memory_space<semaphore_mem>>)
    %dma_start3A_136 = arith.constant 0 : i32
    %dma_start3A_137 = arith.constant 0 : i32
    %dma_start3A_138 = tpu.memref_slice %arg12[%dma_start3A_137] : memref<6x!tpu.dma_semaphore, #tpu.memory_space<semaphore_mem>> -> memref<1x!tpu.dma_semaphore, #tpu.memory_space<semaphore_mem>>
    %dma_start3A_139 = tpu.memref_squeeze %dma_start3A_138 : memref<1x!tpu.dma_semaphore, #tpu.memory_space<semaphore_mem>> -> memref<!tpu.dma_semaphore, #tpu.memory_space<semaphore_mem>>
    %dma_start3A_140 = arith.constant 0 : i32
    %dma_start3A_141 = arith.constant 0 : i32
    %dma_start3A_142 = tpu.memref_slice %arg10[%dma_start3A_136, %dma_start3A_140, %dma_start3A_141] : memref<6x1024x128xf32, #tpu.memory_space<vmem>> -> memref<1x1024x128xf32, #tpu.memory_space<vmem>>
    %dma_start3A_143 = tpu.memref_squeeze %dma_start3A_142 : memref<1x1024x128xf32, #tpu.memory_space<vmem>> -> memref<1024x128xf32, #tpu.memory_space<vmem>>
    %dma_start3A_144 = arith.constant 6144 : i32
    %dma_start3A_145 = arith.constant 0 : i32
    %dma_start3A_146 = tpu.memref_slice %arg0[%dma_start3A_144, %dma_start3A_145] : memref<16384x128xf32, #tpu.memory_space<any>> -> memref<1024x128xf32, #tpu.memory_space<any>>
    tpu.enqueue_dma source(%dma_start3A_146 : memref<1024x128xf32, #tpu.memory_space<any>>) target(%dma_start3A_143 : memref<1024x128xf32, #tpu.memory_space<vmem>>) target_semaphore(%dma_start3A_139 : memref<!tpu.dma_semaphore, #tpu.memory_space<semaphore_mem>>)
    %dma_wait3A_147 = arith.constant 1 : i32
    %dma_wait3A_148 = arith.constant 1 : i32
    %dma_wait3A_149 = tpu.memref_slice %arg12[%dma_wait3A_148] : memref<6x!tpu.dma_semaphore, #tpu.memory_space<semaphore_mem>> -> memref<1x!tpu.dma_semaphore, #tpu.memory_space<semaphore_mem>>
    %dma_wait3A_150 = tpu.memref_squeeze %dma_wait3A_149 : memref<1x!tpu.dma_semaphore, #tpu.memory_space<semaphore_mem>> -> memref<!tpu.dma_semaphore, #tpu.memory_space<semaphore_mem>>
    %dma_wait3A_151 = arith.constant 0 : i32
    %dma_wait3A_152 = arith.constant 0 : i32
    %dma_wait3A_153 = tpu.memref_slice %arg10[%dma_wait3A_147, %dma_wait3A_151, %dma_wait3A_152] : memref<6x1024x128xf32, #tpu.memory_space<vmem>> -> memref<1x1024x128xf32, #tpu.memory_space<vmem>>
    %dma_wait3A_154 = tpu.memref_squeeze %dma_wait3A_153 : memref<1x1024x128xf32, #tpu.memory_space<vmem>> -> memref<1024x128xf32, #tpu.memory_space<vmem>>
    %dma_wait3A_155 = arith.constant 1024 : i32
    %dma_wait3A_156 = arith.constant 0 : i32
    %dma_wait3A_157 = tpu.memref_slice %arg0[%dma_wait3A_155, %dma_wait3A_156] : memref<16384x128xf32, #tpu.memory_space<any>> -> memref<1024x128xf32, #tpu.memory_space<any>>
    tpu.wait_dma2 semaphore(%dma_wait3A_150 : memref<!tpu.dma_semaphore, #tpu.memory_space<semaphore_mem>>) src(%dma_wait3A_157 : memref<1024x128xf32, #tpu.memory_space<any>>) dst(%dma_wait3A_154 : memref<1024x128xf32, #tpu.memory_space<vmem>>)
    %get3A_158 = arith.constant 1024 : index
    %get3A_159 = vector.load %arg1[%get3A_158] : memref<16384xi32, #tpu.memory_space<vmem>>, vector<1024xi32>
    %reshape3A_160 = vector.shape_cast %get3A_159 : vector<1024xi32> to vector<1x1024xi32>
    %iota3A_161 = tpu.iota {dimensions = array<i32: 0>} : vector<100x1024xi32>
    %eq3A_162 = vector.broadcast %reshape3A_160 : vector<1x1024xi32> to vector<100x1024xi32>
    %eq3A_163 = arith.cmpi eq, %eq3A_162, %iota3A_161 : vector<100x1024xi32>
    %convert_element_type3A_164 = arith.extui %eq3A_163 : vector<100x1024xi1> to vector<100x1024xi32>
    %convert_element_type3A_165 = arith.sitofp %convert_element_type3A_164 : vector<100x1024xi32> to vector<100x1024xf32>
    %convert_element_type3A_166 = arith.truncf %convert_element_type3A_165 : vector<100x1024xf32> to vector<100x1024xbf16>
    %get3A_167 = arith.constant 1 : index
    %get3A_168 = arith.constant 0 : index
    %get3A_169 = arith.constant 0 : index
    %get3A_170 = vector.load %arg10[%get3A_167, %get3A_168, %get3A_169] : memref<6x1024x128xf32, #tpu.memory_space<vmem>>, vector<1x1024x128xf32>
    %get3A_171 = vector.shape_cast %get3A_170 : vector<1x1024x128xf32> to vector<1024x128xf32>
    %convert_element_type3A_172 = arith.truncf %get3A_171 : vector<1024x128xf32> to vector<1024x128xbf16>
    %convert_element_type3A_173 = arith.truncf %slice3A : vector<128x128xf32> to vector<128x128xbf16>
    %dot_general3A_174 = arith.constant dense<0.000000e+00> : vector<1024x128xf32>
    %dot_general3A_175 = tpu.matmul %convert_element_type3A_172, %convert_element_type3A_173, %dot_general3A_174 {dimension_numbers = #tpu.dot_dimension_numbers<[1], [1], [0], [0], [0, 0, 1, 0], [], []>, transpose_lhs_hint = false} : vector<1024x128xbf16>, vector<128x128xbf16>, vector<1024x128xf32> -> vector<1024x128xf32>
    %convert_element_type3A_176 = arith.truncf %dot_general3A_23 : vector<100x128xf32> to vector<100x128xbf16>
    %dot_general3A_177 = arith.constant dense<0.000000e+00> : vector<1024x128xf32>
    %dot_general3A_178 = tpu.matmul %convert_element_type3A_166, %convert_element_type3A_176, %dot_general3A_177 {dimension_numbers = #tpu.dot_dimension_numbers<[0], [0], [1], [1], [0, 1, 1, 1], [], []>, transpose_lhs_hint = false} : vector<100x1024xbf16>, vector<100x128xbf16>, vector<1024x128xf32> -> vector<1024x128xf32>
    %add3A_179 = arith.addf %dot_general3A_175, %dot_general3A_178 : vector<1024x128xf32>
    %add3A_180 = vector.broadcast %add3A : vector<1x128xf32> to vector<1024x128xf32>
    %add3A_181 = arith.addf %add3A_179, %add3A_180 : vector<1024x128xf32>
    %swap3A_182 = arith.constant 1 : index
    %swap3A_183 = arith.constant 0 : index
    %swap3A_184 = arith.constant 0 : index
    %swap3A_185 = vector.load %arg11[%swap3A_182, %swap3A_183, %swap3A_184] : memref<6x1024x128xf32, #tpu.memory_space<vmem>>, vector<1x1024x128xf32>
    %swap3A_186 = vector.shape_cast %swap3A_185 : vector<1x1024x128xf32> to vector<1024x128xf32>
    %swap3A_187 = vector.shape_cast %add3A_181 : vector<1024x128xf32> to vector<1x1024x128xf32>
    tpu.vector_store %arg11[%swap3A_182, %swap3A_183, %swap3A_184], %swap3A_187 {strides = array<i32>} : memref<6x1024x128xf32, #tpu.memory_space<vmem>>, vector<1x1024x128xf32>,
    %dma_start3A_188 = arith.constant 1 : i32
    %dma_start3A_189 = arith.constant 1 : i32
    %dma_start3A_190 = tpu.memref_slice %arg13[%dma_start3A_189] : memref<6x!tpu.dma_semaphore, #tpu.memory_space<semaphore_mem>> -> memref<1x!tpu.dma_semaphore, #tpu.memory_space<semaphore_mem>>
    %dma_start3A_191 = tpu.memref_squeeze %dma_start3A_190 : memref<1x!tpu.dma_semaphore, #tpu.memory_space<semaphore_mem>> -> memref<!tpu.dma_semaphore, #tpu.memory_space<semaphore_mem>>
    %dma_start3A_192 = arith.constant 1024 : i32
    %dma_start3A_193 = arith.constant 0 : i32
    %dma_start3A_194 = tpu.memref_slice %arg9[%dma_start3A_192, %dma_start3A_193] : memref<16384x128xf32, #tpu.memory_space<any>> -> memref<1024x128xf32, #tpu.memory_space<any>>
    %dma_start3A_195 = arith.constant 0 : i32
    %dma_start3A_196 = arith.constant 0 : i32
    %dma_start3A_197 = tpu.memref_slice %arg11[%dma_start3A_188, %dma_start3A_195, %dma_start3A_196] : memref<6x1024x128xf32, #tpu.memory_space<vmem>> -> memref<1x1024x128xf32, #tpu.memory_space<vmem>>
    %dma_start3A_198 = tpu.memref_squeeze %dma_start3A_197 : memref<1x1024x128xf32, #tpu.memory_space<vmem>> -> memref<1024x128xf32, #tpu.memory_space<vmem>>
    tpu.enqueue_dma source(%dma_start3A_198 : memref<1024x128xf32, #tpu.memory_space<vmem>>) target(%dma_start3A_194 : memref<1024x128xf32, #tpu.memory_space<any>>) target_semaphore(%dma_start3A_191 : memref<!tpu.dma_semaphore, #tpu.memory_space<semaphore_mem>>)
    %dma_start3A_199 = arith.constant 1 : i32
    %dma_start3A_200 = arith.constant 1 : i32
    %dma_start3A_201 = tpu.memref_slice %arg12[%dma_start3A_200] : memref<6x!tpu.dma_semaphore, #tpu.memory_space<semaphore_mem>> -> memref<1x!tpu.dma_semaphore, #tpu.memory_space<semaphore_mem>>
    %dma_start3A_202 = tpu.memref_squeeze %dma_start3A_201 : memref<1x!tpu.dma_semaphore, #tpu.memory_space<semaphore_mem>> -> memref<!tpu.dma_semaphore, #tpu.memory_space<semaphore_mem>>
    %dma_start3A_203 = arith.constant 0 : i32
    %dma_start3A_204 = arith.constant 0 : i32
    %dma_start3A_205 = tpu.memref_slice %arg10[%dma_start3A_199, %dma_start3A_203, %dma_start3A_204] : memref<6x1024x128xf32, #tpu.memory_space<vmem>> -> memref<1x1024x128xf32, #tpu.memory_space<vmem>>
    %dma_start3A_206 = tpu.memref_squeeze %dma_start3A_205 : memref<1x1024x128xf32, #tpu.memory_space<vmem>> -> memref<1024x128xf32, #tpu.memory_space<vmem>>
    %dma_start3A_207 = arith.constant 7168 : i32
    %dma_start3A_208 = arith.constant 0 : i32
    %dma_start3A_209 = tpu.memref_slice %arg0[%dma_start3A_207, %dma_start3A_208] : memref<16384x128xf32, #tpu.memory_space<any>> -> memref<1024x128xf32, #tpu.memory_space<any>>
    tpu.enqueue_dma source(%dma_start3A_209 : memref<1024x128xf32, #tpu.memory_space<any>>) target(%dma_start3A_206 : memref<1024x128xf32, #tpu.memory_space<vmem>>) target_semaphore(%dma_start3A_202 : memref<!tpu.dma_semaphore, #tpu.memory_space<semaphore_mem>>)
    %dma_wait3A_210 = arith.constant 2 : i32
    %dma_wait3A_211 = arith.constant 2 : i32
    %dma_wait3A_212 = tpu.memref_slice %arg12[%dma_wait3A_211] : memref<6x!tpu.dma_semaphore, #tpu.memory_space<semaphore_mem>> -> memref<1x!tpu.dma_semaphore, #tpu.memory_space<semaphore_mem>>
    %dma_wait3A_213 = tpu.memref_squeeze %dma_wait3A_212 : memref<1x!tpu.dma_semaphore, #tpu.memory_space<semaphore_mem>> -> memref<!tpu.dma_semaphore, #tpu.memory_space<semaphore_mem>>
    %dma_wait3A_214 = arith.constant 0 : i32
    %dma_wait3A_215 = arith.constant 0 : i32
    %dma_wait3A_216 = tpu.memref_slice %arg10[%dma_wait3A_210, %dma_wait3A_214, %dma_wait3A_215] : memref<6x1024x128xf32, #tpu.memory_space<vmem>> -> memref<1x1024x128xf32, #tpu.memory_space<vmem>>
    %dma_wait3A_217 = tpu.memref_squeeze %dma_wait3A_216 : memref<1x1024x128xf32, #tpu.memory_space<vmem>> -> memref<1024x128xf32, #tpu.memory_space<vmem>>
    %dma_wait3A_218 = arith.constant 2048 : i32
    %dma_wait3A_219 = arith.constant 0 : i32
    %dma_wait3A_220 = tpu.memref_slice %arg0[%dma_wait3A_218, %dma_wait3A_219] : memref<16384x128xf32, #tpu.memory_space<any>> -> memref<1024x128xf32, #tpu.memory_space<any>>
    tpu.wait_dma2 semaphore(%dma_wait3A_213 : memref<!tpu.dma_semaphore, #tpu.memory_space<semaphore_mem>>) src(%dma_wait3A_220 : memref<1024x128xf32, #tpu.memory_space<any>>) dst(%dma_wait3A_217 : memref<1024x128xf32, #tpu.memory_space<vmem>>)
    %get3A_221 = arith.constant 2048 : index
    %get3A_222 = vector.load %arg1[%get3A_221] : memref<16384xi32, #tpu.memory_space<vmem>>, vector<1024xi32>
    %reshape3A_223 = vector.shape_cast %get3A_222 : vector<1024xi32> to vector<1x1024xi32>
    %iota3A_224 = tpu.iota {dimensions = array<i32: 0>} : vector<100x1024xi32>
    %eq3A_225 = vector.broadcast %reshape3A_223 : vector<1x1024xi32> to vector<100x1024xi32>
    %eq3A_226 = arith.cmpi eq, %eq3A_225, %iota3A_224 : vector<100x1024xi32>
    %convert_element_type3A_227 = arith.extui %eq3A_226 : vector<100x1024xi1> to vector<100x1024xi32>
    %convert_element_type3A_228 = arith.sitofp %convert_element_type3A_227 : vector<100x1024xi32> to vector<100x1024xf32>
    %convert_element_type3A_229 = arith.truncf %convert_element_type3A_228 : vector<100x1024xf32> to vector<100x1024xbf16>
    %get3A_230 = arith.constant 2 : index
    %get3A_231 = arith.constant 0 : index
    %get3A_232 = arith.constant 0 : index
    %get3A_233 = vector.load %arg10[%get3A_230, %get3A_231, %get3A_232] : memref<6x1024x128xf32, #tpu.memory_space<vmem>>, vector<1x1024x128xf32>
    %get3A_234 = vector.shape_cast %get3A_233 : vector<1x1024x128xf32> to vector<1024x128xf32>
    %convert_element_type3A_235 = arith.truncf %get3A_234 : vector<1024x128xf32> to vector<1024x128xbf16>
    %convert_element_type3A_236 = arith.truncf %slice3A : vector<128x128xf32> to vector<128x128xbf16>
    %dot_general3A_237 = arith.constant dense<0.000000e+00> : vector<1024x128xf32>
    %dot_general3A_238 = tpu.matmul %convert_element_type3A_235, %convert_element_type3A_236, %dot_general3A_237 {dimension_numbers = #tpu.dot_dimension_numbers<[1], [1], [0], [0], [0, 0, 1, 0], [], []>, transpose_lhs_hint = false} : vector<1024x128xbf16>, vector<128x128xbf16>, vector<1024x128xf32> -> vector<1024x128xf32>
    %convert_element_type3A_239 = arith.truncf %dot_general3A_23 : vector<100x128xf32> to vector<100x128xbf16>
    %dot_general3A_240 = arith.constant dense<0.000000e+00> : vector<1024x128xf32>
    %dot_general3A_241 = tpu.matmul %convert_element_type3A_229, %convert_element_type3A_239, %dot_general3A_240 {dimension_numbers = #tpu.dot_dimension_numbers<[0], [0], [1], [1], [0, 1, 1, 1], [], []>, transpose_lhs_hint = false} : vector<100x1024xbf16>, vector<100x128xbf16>, vector<1024x128xf32> -> vector<1024x128xf32>
    %add3A_242 = arith.addf %dot_general3A_238, %dot_general3A_241 : vector<1024x128xf32>
    %add3A_243 = vector.broadcast %add3A : vector<1x128xf32> to vector<1024x128xf32>
    %add3A_244 = arith.addf %add3A_242, %add3A_243 : vector<1024x128xf32>
    %swap3A_245 = arith.constant 2 : index
    %swap3A_246 = arith.constant 0 : index
    %swap3A_247 = arith.constant 0 : index
    %swap3A_248 = vector.load %arg11[%swap3A_245, %swap3A_246, %swap3A_247] : memref<6x1024x128xf32, #tpu.memory_space<vmem>>, vector<1x1024x128xf32>
    %swap3A_249 = vector.shape_cast %swap3A_248 : vector<1x1024x128xf32> to vector<1024x128xf32>
    %swap3A_250 = vector.shape_cast %add3A_244 : vector<1024x128xf32> to vector<1x1024x128xf32>
    tpu.vector_store %arg11[%swap3A_245, %swap3A_246, %swap3A_247], %swap3A_250 {strides = array<i32>} : memref<6x1024x128xf32, #tpu.memory_space<vmem>>, vector<1x1024x128xf32>,
    %dma_start3A_251 = arith.constant 2 : i32
    %dma_start3A_252 = arith.constant 2 : i32
    %dma_start3A_253 = tpu.memref_slice %arg13[%dma_start3A_252] : memref<6x!tpu.dma_semaphore, #tpu.memory_space<semaphore_mem>> -> memref<1x!tpu.dma_semaphore, #tpu.memory_space<semaphore_mem>>
    %dma_start3A_254 = tpu.memref_squeeze %dma_start3A_253 : memref<1x!tpu.dma_semaphore, #tpu.memory_space<semaphore_mem>> -> memref<!tpu.dma_semaphore, #tpu.memory_space<semaphore_mem>>
    %dma_start3A_255 = arith.constant 2048 : i32
    %dma_start3A_256 = arith.constant 0 : i32
    %dma_start3A_257 = tpu.memref_slice %arg9[%dma_start3A_255, %dma_start3A_256] : memref<16384x128xf32, #tpu.memory_space<any>> -> memref<1024x128xf32, #tpu.memory_space<any>>
    %dma_start3A_258 = arith.constant 0 : i32
    %dma_start3A_259 = arith.constant 0 : i32
    %dma_start3A_260 = tpu.memref_slice %arg11[%dma_start3A_251, %dma_start3A_258, %dma_start3A_259] : memref<6x1024x128xf32, #tpu.memory_space<vmem>> -> memref<1x1024x128xf32, #tpu.memory_space<vmem>>
    %dma_start3A_261 = tpu.memref_squeeze %dma_start3A_260 : memref<1x1024x128xf32, #tpu.memory_space<vmem>> -> memref<1024x128xf32, #tpu.memory_space<vmem>>
    tpu.enqueue_dma source(%dma_start3A_261 : memref<1024x128xf32, #tpu.memory_space<vmem>>) target(%dma_start3A_257 : memref<1024x128xf32, #tpu.memory_space<any>>) target_semaphore(%dma_start3A_254 : memref<!tpu.dma_semaphore, #tpu.memory_space<semaphore_mem>>)
    %dma_start3A_262 = arith.constant 2 : i32
    %dma_start3A_263 = arith.constant 2 : i32
    %dma_start3A_264 = tpu.memref_slice %arg12[%dma_start3A_263] : memref<6x!tpu.dma_semaphore, #tpu.memory_space<semaphore_mem>> -> memref<1x!tpu.dma_semaphore, #tpu.memory_space<semaphore_mem>>
    %dma_start3A_265 = tpu.memref_squeeze %dma_start3A_264 : memref<1x!tpu.dma_semaphore, #tpu.memory_space<semaphore_mem>> -> memref<!tpu.dma_semaphore, #tpu.memory_space<semaphore_mem>>
    %dma_start3A_266 = arith.constant 0 : i32
    %dma_start3A_267 = arith.constant 0 : i32
    %dma_start3A_268 = tpu.memref_slice %arg10[%dma_start3A_262, %dma_start3A_266, %dma_start3A_267] : memref<6x1024x128xf32, #tpu.memory_space<vmem>> -> memref<1x1024x128xf32, #tpu.memory_space<vmem>>
    %dma_start3A_269 = tpu.memref_squeeze %dma_start3A_268 : memref<1x1024x128xf32, #tpu.memory_space<vmem>> -> memref<1024x128xf32, #tpu.memory_space<vmem>>
    %dma_start3A_270 = arith.constant 8192 : i32
    %dma_start3A_271 = arith.constant 0 : i32
    %dma_start3A_272 = tpu.memref_slice %arg0[%dma_start3A_270, %dma_start3A_271] : memref<16384x128xf32, #tpu.memory_space<any>> -> memref<1024x128xf32, #tpu.memory_space<any>>
    tpu.enqueue_dma source(%dma_start3A_272 : memref<1024x128xf32, #tpu.memory_space<any>>) target(%dma_start3A_269 : memref<1024x128xf32, #tpu.memory_space<vmem>>) target_semaphore(%dma_start3A_265 : memref<!tpu.dma_semaphore, #tpu.memory_space<semaphore_mem>>)
    %dma_wait3A_273 = arith.constant 3 : i32
    %dma_wait3A_274 = arith.constant 3 : i32
    %dma_wait3A_275 = tpu.memref_slice %arg12[%dma_wait3A_274] : memref<6x!tpu.dma_semaphore, #tpu.memory_space<semaphore_mem>> -> memref<1x!tpu.dma_semaphore, #tpu.memory_space<semaphore_mem>>
    %dma_wait3A_276 = tpu.memref_squeeze %dma_wait3A_275 : memref<1x!tpu.dma_semaphore, #tpu.memory_space<semaphore_mem>> -> memref<!tpu.dma_semaphore, #tpu.memory_space<semaphore_mem>>
    %dma_wait3A_277 = arith.constant 0 : i32
    %dma_wait3A_278 = arith.constant 0 : i32
    %dma_wait3A_279 = tpu.memref_slice %arg10[%dma_wait3A_273, %dma_wait3A_277, %dma_wait3A_278] : memref<6x1024x128xf32, #tpu.memory_space<vmem>> -> memref<1x1024x128xf32, #tpu.memory_space<vmem>>
    %dma_wait3A_280 = tpu.memref_squeeze %dma_wait3A_279 : memref<1x1024x128xf32, #tpu.memory_space<vmem>> -> memref<1024x128xf32, #tpu.memory_space<vmem>>
    %dma_wait3A_281 = arith.constant 3072 : i32
    %dma_wait3A_282 = arith.constant 0 : i32
    %dma_wait3A_283 = tpu.memref_slice %arg0[%dma_wait3A_281, %dma_wait3A_282] : memref<16384x128xf32, #tpu.memory_space<any>> -> memref<1024x128xf32, #tpu.memory_space<any>>
    tpu.wait_dma2 semaphore(%dma_wait3A_276 : memref<!tpu.dma_semaphore, #tpu.memory_space<semaphore_mem>>) src(%dma_wait3A_283 : memref<1024x128xf32, #tpu.memory_space<any>>) dst(%dma_wait3A_280 : memref<1024x128xf32, #tpu.memory_space<vmem>>)
    %get3A_284 = arith.constant 3072 : index
    %get3A_285 = vector.load %arg1[%get3A_284] : memref<16384xi32, #tpu.memory_space<vmem>>, vector<1024xi32>
    %reshape3A_286 = vector.shape_cast %get3A_285 : vector<1024xi32> to vector<1x1024xi32>
    %iota3A_287 = tpu.iota {dimensions = array<i32: 0>} : vector<100x1024xi32>
    %eq3A_288 = vector.broadcast %reshape3A_286 : vector<1x1024xi32> to vector<100x1024xi32>
    %eq3A_289 = arith.cmpi eq, %eq3A_288, %iota3A_287 : vector<100x1024xi32>
    %convert_element_type3A_290 = arith.extui %eq3A_289 : vector<100x1024xi1> to vector<100x1024xi32>
    %convert_element_type3A_291 = arith.sitofp %convert_element_type3A_290 : vector<100x1024xi32> to vector<100x1024xf32>
    %convert_element_type3A_292 = arith.truncf %convert_element_type3A_291 : vector<100x1024xf32> to vector<100x1024xbf16>
    %get3A_293 = arith.constant 3 : index
    %get3A_294 = arith.constant 0 : index
    %get3A_295 = arith.constant 0 : index
    %get3A_296 = vector.load %arg10[%get3A_293, %get3A_294, %get3A_295] : memref<6x1024x128xf32, #tpu.memory_space<vmem>>, vector<1x1024x128xf32>
    %get3A_297 = vector.shape_cast %get3A_296 : vector<1x1024x128xf32> to vector<1024x128xf32>
    %convert_element_type3A_298 = arith.truncf %get3A_297 : vector<1024x128xf32> to vector<1024x128xbf16>
    %convert_element_type3A_299 = arith.truncf %slice3A : vector<128x128xf32> to vector<128x128xbf16>
    %dot_general3A_300 = arith.constant dense<0.000000e+00> : vector<1024x128xf32>
    %dot_general3A_301 = tpu.matmul %convert_element_type3A_298, %convert_element_type3A_299, %dot_general3A_300 {dimension_numbers = #tpu.dot_dimension_numbers<[1], [1], [0], [0], [0, 0, 1, 0], [], []>, transpose_lhs_hint = false} : vector<1024x128xbf16>, vector<128x128xbf16>, vector<1024x128xf32> -> vector<1024x128xf32>
    %convert_element_type3A_302 = arith.truncf %dot_general3A_23 : vector<100x128xf32> to vector<100x128xbf16>
    %dot_general3A_303 = arith.constant dense<0.000000e+00> : vector<1024x128xf32>
    %dot_general3A_304 = tpu.matmul %convert_element_type3A_292, %convert_element_type3A_302, %dot_general3A_303 {dimension_numbers = #tpu.dot_dimension_numbers<[0], [0], [1], [1], [0, 1, 1, 1], [], []>, transpose_lhs_hint = false} : vector<100x1024xbf16>, vector<100x128xbf16>, vector<1024x128xf32> -> vector<1024x128xf32>
    %add3A_305 = arith.addf %dot_general3A_301, %dot_general3A_304 : vector<1024x128xf32>
    %add3A_306 = vector.broadcast %add3A : vector<1x128xf32> to vector<1024x128xf32>
    %add3A_307 = arith.addf %add3A_305, %add3A_306 : vector<1024x128xf32>
    %swap3A_308 = arith.constant 3 : index
    %swap3A_309 = arith.constant 0 : index
    %swap3A_310 = arith.constant 0 : index
    %swap3A_311 = vector.load %arg11[%swap3A_308, %swap3A_309, %swap3A_310] : memref<6x1024x128xf32, #tpu.memory_space<vmem>>, vector<1x1024x128xf32>
    %swap3A_312 = vector.shape_cast %swap3A_311 : vector<1x1024x128xf32> to vector<1024x128xf32>
    %swap3A_313 = vector.shape_cast %add3A_307 : vector<1024x128xf32> to vector<1x1024x128xf32>
    tpu.vector_store %arg11[%swap3A_308, %swap3A_309, %swap3A_310], %swap3A_313 {strides = array<i32>} : memref<6x1024x128xf32, #tpu.memory_space<vmem>>, vector<1x1024x128xf32>,
    %dma_start3A_314 = arith.constant 3 : i32
    %dma_start3A_315 = arith.constant 3 : i32
    %dma_start3A_316 = tpu.memref_slice %arg13[%dma_start3A_315] : memref<6x!tpu.dma_semaphore, #tpu.memory_space<semaphore_mem>> -> memref<1x!tpu.dma_semaphore, #tpu.memory_space<semaphore_mem>>
    %dma_start3A_317 = tpu.memref_squeeze %dma_start3A_316 : memref<1x!tpu.dma_semaphore, #tpu.memory_space<semaphore_mem>> -> memref<!tpu.dma_semaphore, #tpu.memory_space<semaphore_mem>>
    %dma_start3A_318 = arith.constant 3072 : i32
    %dma_start3A_319 = arith.constant 0 : i32
    %dma_start3A_320 = tpu.memref_slice %arg9[%dma_start3A_318, %dma_start3A_319] : memref<16384x128xf32, #tpu.memory_space<any>> -> memref<1024x128xf32, #tpu.memory_space<any>>
    %dma_start3A_321 = arith.constant 0 : i32
    %dma_start3A_322 = arith.constant 0 : i32
    %dma_start3A_323 = tpu.memref_slice %arg11[%dma_start3A_314, %dma_start3A_321, %dma_start3A_322] : memref<6x1024x128xf32, #tpu.memory_space<vmem>> -> memref<1x1024x128xf32, #tpu.memory_space<vmem>>
    %dma_start3A_324 = tpu.memref_squeeze %dma_start3A_323 : memref<1x1024x128xf32, #tpu.memory_space<vmem>> -> memref<1024x128xf32, #tpu.memory_space<vmem>>
    tpu.enqueue_dma source(%dma_start3A_324 : memref<1024x128xf32, #tpu.memory_space<vmem>>) target(%dma_start3A_320 : memref<1024x128xf32, #tpu.memory_space<any>>) target_semaphore(%dma_start3A_317 : memref<!tpu.dma_semaphore, #tpu.memory_space<semaphore_mem>>)
    %dma_start3A_325 = arith.constant 3 : i32
    %dma_start3A_326 = arith.constant 3 : i32
    %dma_start3A_327 = tpu.memref_slice %arg12[%dma_start3A_326] : memref<6x!tpu.dma_semaphore, #tpu.memory_space<semaphore_mem>> -> memref<1x!tpu.dma_semaphore, #tpu.memory_space<semaphore_mem>>
    %dma_start3A_328 = tpu.memref_squeeze %dma_start3A_327 : memref<1x!tpu.dma_semaphore, #tpu.memory_space<semaphore_mem>> -> memref<!tpu.dma_semaphore, #tpu.memory_space<semaphore_mem>>
    %dma_start3A_329 = arith.constant 0 : i32
    %dma_start3A_330 = arith.constant 0 : i32
    %dma_start3A_331 = tpu.memref_slice %arg10[%dma_start3A_325, %dma_start3A_329, %dma_start3A_330] : memref<6x1024x128xf32, #tpu.memory_space<vmem>> -> memref<1x1024x128xf32, #tpu.memory_space<vmem>>
    %dma_start3A_332 = tpu.memref_squeeze %dma_start3A_331 : memref<1x1024x128xf32, #tpu.memory_space<vmem>> -> memref<1024x128xf32, #tpu.memory_space<vmem>>
    %dma_start3A_333 = arith.constant 9216 : i32
    %dma_start3A_334 = arith.constant 0 : i32
    %dma_start3A_335 = tpu.memref_slice %arg0[%dma_start3A_333, %dma_start3A_334] : memref<16384x128xf32, #tpu.memory_space<any>> -> memref<1024x128xf32, #tpu.memory_space<any>>
    tpu.enqueue_dma source(%dma_start3A_335 : memref<1024x128xf32, #tpu.memory_space<any>>) target(%dma_start3A_332 : memref<1024x128xf32, #tpu.memory_space<vmem>>) target_semaphore(%dma_start3A_328 : memref<!tpu.dma_semaphore, #tpu.memory_space<semaphore_mem>>)
    %dma_wait3A_336 = arith.constant 4 : i32
    %dma_wait3A_337 = arith.constant 4 : i32
    %dma_wait3A_338 = tpu.memref_slice %arg12[%dma_wait3A_337] : memref<6x!tpu.dma_semaphore, #tpu.memory_space<semaphore_mem>> -> memref<1x!tpu.dma_semaphore, #tpu.memory_space<semaphore_mem>>
    %dma_wait3A_339 = tpu.memref_squeeze %dma_wait3A_338 : memref<1x!tpu.dma_semaphore, #tpu.memory_space<semaphore_mem>> -> memref<!tpu.dma_semaphore, #tpu.memory_space<semaphore_mem>>
    %dma_wait3A_340 = arith.constant 0 : i32
    %dma_wait3A_341 = arith.constant 0 : i32
    %dma_wait3A_342 = tpu.memref_slice %arg10[%dma_wait3A_336, %dma_wait3A_340, %dma_wait3A_341] : memref<6x1024x128xf32, #tpu.memory_space<vmem>> -> memref<1x1024x128xf32, #tpu.memory_space<vmem>>
    %dma_wait3A_343 = tpu.memref_squeeze %dma_wait3A_342 : memref<1x1024x128xf32, #tpu.memory_space<vmem>> -> memref<1024x128xf32, #tpu.memory_space<vmem>>
    %dma_wait3A_344 = arith.constant 4096 : i32
    %dma_wait3A_345 = arith.constant 0 : i32
    %dma_wait3A_346 = tpu.memref_slice %arg0[%dma_wait3A_344, %dma_wait3A_345] : memref<16384x128xf32, #tpu.memory_space<any>> -> memref<1024x128xf32, #tpu.memory_space<any>>
    tpu.wait_dma2 semaphore(%dma_wait3A_339 : memref<!tpu.dma_semaphore, #tpu.memory_space<semaphore_mem>>) src(%dma_wait3A_346 : memref<1024x128xf32, #tpu.memory_space<any>>) dst(%dma_wait3A_343 : memref<1024x128xf32, #tpu.memory_space<vmem>>)
    %get3A_347 = arith.constant 4096 : index
    %get3A_348 = vector.load %arg1[%get3A_347] : memref<16384xi32, #tpu.memory_space<vmem>>, vector<1024xi32>
    %reshape3A_349 = vector.shape_cast %get3A_348 : vector<1024xi32> to vector<1x1024xi32>
    %iota3A_350 = tpu.iota {dimensions = array<i32: 0>} : vector<100x1024xi32>
    %eq3A_351 = vector.broadcast %reshape3A_349 : vector<1x1024xi32> to vector<100x1024xi32>
    %eq3A_352 = arith.cmpi eq, %eq3A_351, %iota3A_350 : vector<100x1024xi32>
    %convert_element_type3A_353 = arith.extui %eq3A_352 : vector<100x1024xi1> to vector<100x1024xi32>
    %convert_element_type3A_354 = arith.sitofp %convert_element_type3A_353 : vector<100x1024xi32> to vector<100x1024xf32>
    %convert_element_type3A_355 = arith.truncf %convert_element_type3A_354 : vector<100x1024xf32> to vector<100x1024xbf16>
    %get3A_356 = arith.constant 4 : index
    %get3A_357 = arith.constant 0 : index
    %get3A_358 = arith.constant 0 : index
    %get3A_359 = vector.load %arg10[%get3A_356, %get3A_357, %get3A_358] : memref<6x1024x128xf32, #tpu.memory_space<vmem>>, vector<1x1024x128xf32>
    %get3A_360 = vector.shape_cast %get3A_359 : vector<1x1024x128xf32> to vector<1024x128xf32>
    %convert_element_type3A_361 = arith.truncf %get3A_360 : vector<1024x128xf32> to vector<1024x128xbf16>
    %convert_element_type3A_362 = arith.truncf %slice3A : vector<128x128xf32> to vector<128x128xbf16>
    %dot_general3A_363 = arith.constant dense<0.000000e+00> : vector<1024x128xf32>
    %dot_general3A_364 = tpu.matmul %convert_element_type3A_361, %convert_element_type3A_362, %dot_general3A_363 {dimension_numbers = #tpu.dot_dimension_numbers<[1], [1], [0], [0], [0, 0, 1, 0], [], []>, transpose_lhs_hint = false} : vector<1024x128xbf16>, vector<128x128xbf16>, vector<1024x128xf32> -> vector<1024x128xf32>
    %convert_element_type3A_365 = arith.truncf %dot_general3A_23 : vector<100x128xf32> to vector<100x128xbf16>
    %dot_general3A_366 = arith.constant dense<0.000000e+00> : vector<1024x128xf32>
    %dot_general3A_367 = tpu.matmul %convert_element_type3A_355, %convert_element_type3A_365, %dot_general3A_366 {dimension_numbers = #tpu.dot_dimension_numbers<[0], [0], [1], [1], [0, 1, 1, 1], [], []>, transpose_lhs_hint = false} : vector<100x1024xbf16>, vector<100x128xbf16>, vector<1024x128xf32> -> vector<1024x128xf32>
    %add3A_368 = arith.addf %dot_general3A_364, %dot_general3A_367 : vector<1024x128xf32>
    %add3A_369 = vector.broadcast %add3A : vector<1x128xf32> to vector<1024x128xf32>
    %add3A_370 = arith.addf %add3A_368, %add3A_369 : vector<1024x128xf32>
    %swap3A_371 = arith.constant 4 : index
    %swap3A_372 = arith.constant 0 : index
    %swap3A_373 = arith.constant 0 : index
    %swap3A_374 = vector.load %arg11[%swap3A_371, %swap3A_372, %swap3A_373] : memref<6x1024x128xf32, #tpu.memory_space<vmem>>, vector<1x1024x128xf32>
    %swap3A_375 = vector.shape_cast %swap3A_374 : vector<1x1024x128xf32> to vector<1024x128xf32>
    %swap3A_376 = vector.shape_cast %add3A_370 : vector<1024x128xf32> to vector<1x1024x128xf32>
    tpu.vector_store %arg11[%swap3A_371, %swap3A_372, %swap3A_373], %swap3A_376 {strides = array<i32>} : memref<6x1024x128xf32, #tpu.memory_space<vmem>>, vector<1x1024x128xf32>,
    %dma_start3A_377 = arith.constant 4 : i32
    %dma_start3A_378 = arith.constant 4 : i32
    %dma_start3A_379 = tpu.memref_slice %arg13[%dma_start3A_378] : memref<6x!tpu.dma_semaphore, #tpu.memory_space<semaphore_mem>> -> memref<1x!tpu.dma_semaphore, #tpu.memory_space<semaphore_mem>>
    %dma_start3A_380 = tpu.memref_squeeze %dma_start3A_379 : memref<1x!tpu.dma_semaphore, #tpu.memory_space<semaphore_mem>> -> memref<!tpu.dma_semaphore, #tpu.memory_space<semaphore_mem>>
    %dma_start3A_381 = arith.constant 4096 : i32
    %dma_start3A_382 = arith.constant 0 : i32
    %dma_start3A_383 = tpu.memref_slice %arg9[%dma_start3A_381, %dma_start3A_382] : memref<16384x128xf32, #tpu.memory_space<any>> -> memref<1024x128xf32, #tpu.memory_space<any>>
    %dma_start3A_384 = arith.constant 0 : i32
    %dma_start3A_385 = arith.constant 0 : i32
    %dma_start3A_386 = tpu.memref_slice %arg11[%dma_start3A_377, %dma_start3A_384, %dma_start3A_385] : memref<6x1024x128xf32, #tpu.memory_space<vmem>> -> memref<1x1024x128xf32, #tpu.memory_space<vmem>>
    %dma_start3A_387 = tpu.memref_squeeze %dma_start3A_386 : memref<1x1024x128xf32, #tpu.memory_space<vmem>> -> memref<1024x128xf32, #tpu.memory_space<vmem>>
    tpu.enqueue_dma source(%dma_start3A_387 : memref<1024x128xf32, #tpu.memory_space<vmem>>) target(%dma_start3A_383 : memref<1024x128xf32, #tpu.memory_space<any>>) target_semaphore(%dma_start3A_380 : memref<!tpu.dma_semaphore, #tpu.memory_space<semaphore_mem>>)
    %dma_start3A_388 = arith.constant 4 : i32
    %dma_start3A_389 = arith.constant 4 : i32
    %dma_start3A_390 = tpu.memref_slice %arg12[%dma_start3A_389] : memref<6x!tpu.dma_semaphore, #tpu.memory_space<semaphore_mem>> -> memref<1x!tpu.dma_semaphore, #tpu.memory_space<semaphore_mem>>
    %dma_start3A_391 = tpu.memref_squeeze %dma_start3A_390 : memref<1x!tpu.dma_semaphore, #tpu.memory_space<semaphore_mem>> -> memref<!tpu.dma_semaphore, #tpu.memory_space<semaphore_mem>>
    %dma_start3A_392 = arith.constant 0 : i32
    %dma_start3A_393 = arith.constant 0 : i32
    %dma_start3A_394 = tpu.memref_slice %arg10[%dma_start3A_388, %dma_start3A_392, %dma_start3A_393] : memref<6x1024x128xf32, #tpu.memory_space<vmem>> -> memref<1x1024x128xf32, #tpu.memory_space<vmem>>
    %dma_start3A_395 = tpu.memref_squeeze %dma_start3A_394 : memref<1x1024x128xf32, #tpu.memory_space<vmem>> -> memref<1024x128xf32, #tpu.memory_space<vmem>>
    %dma_start3A_396 = arith.constant 10240 : i32
    %dma_start3A_397 = arith.constant 0 : i32
    %dma_start3A_398 = tpu.memref_slice %arg0[%dma_start3A_396, %dma_start3A_397] : memref<16384x128xf32, #tpu.memory_space<any>> -> memref<1024x128xf32, #tpu.memory_space<any>>
    tpu.enqueue_dma source(%dma_start3A_398 : memref<1024x128xf32, #tpu.memory_space<any>>) target(%dma_start3A_395 : memref<1024x128xf32, #tpu.memory_space<vmem>>) target_semaphore(%dma_start3A_391 : memref<!tpu.dma_semaphore, #tpu.memory_space<semaphore_mem>>)
    %dma_wait3A_399 = arith.constant 5 : i32
    %dma_wait3A_400 = arith.constant 5 : i32
    %dma_wait3A_401 = tpu.memref_slice %arg12[%dma_wait3A_400] : memref<6x!tpu.dma_semaphore, #tpu.memory_space<semaphore_mem>> -> memref<1x!tpu.dma_semaphore, #tpu.memory_space<semaphore_mem>>
    %dma_wait3A_402 = tpu.memref_squeeze %dma_wait3A_401 : memref<1x!tpu.dma_semaphore, #tpu.memory_space<semaphore_mem>> -> memref<!tpu.dma_semaphore, #tpu.memory_space<semaphore_mem>>
    %dma_wait3A_403 = arith.constant 0 : i32
    %dma_wait3A_404 = arith.constant 0 : i32
    %dma_wait3A_405 = tpu.memref_slice %arg10[%dma_wait3A_399, %dma_wait3A_403, %dma_wait3A_404] : memref<6x1024x128xf32, #tpu.memory_space<vmem>> -> memref<1x1024x128xf32, #tpu.memory_space<vmem>>
    %dma_wait3A_406 = tpu.memref_squeeze %dma_wait3A_405 : memref<1x1024x128xf32, #tpu.memory_space<vmem>> -> memref<1024x128xf32, #tpu.memory_space<vmem>>
    %dma_wait3A_407 = arith.constant 5120 : i32
    %dma_wait3A_408 = arith.constant 0 : i32
    %dma_wait3A_409 = tpu.memref_slice %arg0[%dma_wait3A_407, %dma_wait3A_408] : memref<16384x128xf32, #tpu.memory_space<any>> -> memref<1024x128xf32, #tpu.memory_space<any>>
    tpu.wait_dma2 semaphore(%dma_wait3A_402 : memref<!tpu.dma_semaphore, #tpu.memory_space<semaphore_mem>>) src(%dma_wait3A_409 : memref<1024x128xf32, #tpu.memory_space<any>>) dst(%dma_wait3A_406 : memref<1024x128xf32, #tpu.memory_space<vmem>>)
    %get3A_410 = arith.constant 5120 : index
    %get3A_411 = vector.load %arg1[%get3A_410] : memref<16384xi32, #tpu.memory_space<vmem>>, vector<1024xi32>
    %reshape3A_412 = vector.shape_cast %get3A_411 : vector<1024xi32> to vector<1x1024xi32>
    %iota3A_413 = tpu.iota {dimensions = array<i32: 0>} : vector<100x1024xi32>
    %eq3A_414 = vector.broadcast %reshape3A_412 : vector<1x1024xi32> to vector<100x1024xi32>
    %eq3A_415 = arith.cmpi eq, %eq3A_414, %iota3A_413 : vector<100x1024xi32>
    %convert_element_type3A_416 = arith.extui %eq3A_415 : vector<100x1024xi1> to vector<100x1024xi32>
    %convert_element_type3A_417 = arith.sitofp %convert_element_type3A_416 : vector<100x1024xi32> to vector<100x1024xf32>
    %convert_element_type3A_418 = arith.truncf %convert_element_type3A_417 : vector<100x1024xf32> to vector<100x1024xbf16>
    %get3A_419 = arith.constant 5 : index
    %get3A_420 = arith.constant 0 : index
    %get3A_421 = arith.constant 0 : index
    %get3A_422 = vector.load %arg10[%get3A_419, %get3A_420, %get3A_421] : memref<6x1024x128xf32, #tpu.memory_space<vmem>>, vector<1x1024x128xf32>
    %get3A_423 = vector.shape_cast %get3A_422 : vector<1x1024x128xf32> to vector<1024x128xf32>
    %convert_element_type3A_424 = arith.truncf %get3A_423 : vector<1024x128xf32> to vector<1024x128xbf16>
    %convert_element_type3A_425 = arith.truncf %slice3A : vector<128x128xf32> to vector<128x128xbf16>
    %dot_general3A_426 = arith.constant dense<0.000000e+00> : vector<1024x128xf32>
    %dot_general3A_427 = tpu.matmul %convert_element_type3A_424, %convert_element_type3A_425, %dot_general3A_426 {dimension_numbers = #tpu.dot_dimension_numbers<[1], [1], [0], [0], [0, 0, 1, 0], [], []>, transpose_lhs_hint = false} : vector<1024x128xbf16>, vector<128x128xbf16>, vector<1024x128xf32> -> vector<1024x128xf32>
    %convert_element_type3A_428 = arith.truncf %dot_general3A_23 : vector<100x128xf32> to vector<100x128xbf16>
    %dot_general3A_429 = arith.constant dense<0.000000e+00> : vector<1024x128xf32>
    %dot_general3A_430 = tpu.matmul %convert_element_type3A_418, %convert_element_type3A_428, %dot_general3A_429 {dimension_numbers = #tpu.dot_dimension_numbers<[0], [0], [1], [1], [0, 1, 1, 1], [], []>, transpose_lhs_hint = false} : vector<100x1024xbf16>, vector<100x128xbf16>, vector<1024x128xf32> -> vector<1024x128xf32>
    %add3A_431 = arith.addf %dot_general3A_427, %dot_general3A_430 : vector<1024x128xf32>
    %add3A_432 = vector.broadcast %add3A : vector<1x128xf32> to vector<1024x128xf32>
    %add3A_433 = arith.addf %add3A_431, %add3A_432 : vector<1024x128xf32>
    %swap3A_434 = arith.constant 5 : index
    %swap3A_435 = arith.constant 0 : index
    %swap3A_436 = arith.constant 0 : index
    %swap3A_437 = vector.load %arg11[%swap3A_434, %swap3A_435, %swap3A_436] : memref<6x1024x128xf32, #tpu.memory_space<vmem>>, vector<1x1024x128xf32>
    %swap3A_438 = vector.shape_cast %swap3A_437 : vector<1x1024x128xf32> to vector<1024x128xf32>
    %swap3A_439 = vector.shape_cast %add3A_433 : vector<1024x128xf32> to vector<1x1024x128xf32>
    tpu.vector_store %arg11[%swap3A_434, %swap3A_435, %swap3A_436], %swap3A_439 {strides = array<i32>} : memref<6x1024x128xf32, #tpu.memory_space<vmem>>, vector<1x1024x128xf32>,
    %dma_start3A_440 = arith.constant 5 : i32
    %dma_start3A_441 = arith.constant 5 : i32
    %dma_start3A_442 = tpu.memref_slice %arg13[%dma_start3A_441] : memref<6x!tpu.dma_semaphore, #tpu.memory_space<semaphore_mem>> -> memref<1x!tpu.dma_semaphore, #tpu.memory_space<semaphore_mem>>
    %dma_start3A_443 = tpu.memref_squeeze %dma_start3A_442 : memref<1x!tpu.dma_semaphore, #tpu.memory_space<semaphore_mem>> -> memref<!tpu.dma_semaphore, #tpu.memory_space<semaphore_mem>>
    %dma_start3A_444 = arith.constant 5120 : i32
    %dma_start3A_445 = arith.constant 0 : i32
    %dma_start3A_446 = tpu.memref_slice %arg9[%dma_start3A_444, %dma_start3A_445] : memref<16384x128xf32, #tpu.memory_space<any>> -> memref<1024x128xf32, #tpu.memory_space<any>>
    %dma_start3A_447 = arith.constant 0 : i32
    %dma_start3A_448 = arith.constant 0 : i32
    %dma_start3A_449 = tpu.memref_slice %arg11[%dma_start3A_440, %dma_start3A_447, %dma_start3A_448] : memref<6x1024x128xf32, #tpu.memory_space<vmem>> -> memref<1x1024x128xf32, #tpu.memory_space<vmem>>
    %dma_start3A_450 = tpu.memref_squeeze %dma_start3A_449 : memref<1x1024x128xf32, #tpu.memory_space<vmem>> -> memref<1024x128xf32, #tpu.memory_space<vmem>>
    tpu.enqueue_dma source(%dma_start3A_450 : memref<1024x128xf32, #tpu.memory_space<vmem>>) target(%dma_start3A_446 : memref<1024x128xf32, #tpu.memory_space<any>>) target_semaphore(%dma_start3A_443 : memref<!tpu.dma_semaphore, #tpu.memory_space<semaphore_mem>>)
    %dma_start3A_451 = arith.constant 5 : i32
    %dma_start3A_452 = arith.constant 5 : i32
    %dma_start3A_453 = tpu.memref_slice %arg12[%dma_start3A_452] : memref<6x!tpu.dma_semaphore, #tpu.memory_space<semaphore_mem>> -> memref<1x!tpu.dma_semaphore, #tpu.memory_space<semaphore_mem>>
    %dma_start3A_454 = tpu.memref_squeeze %dma_start3A_453 : memref<1x!tpu.dma_semaphore, #tpu.memory_space<semaphore_mem>> -> memref<!tpu.dma_semaphore, #tpu.memory_space<semaphore_mem>>
    %dma_start3A_455 = arith.constant 0 : i32
    %dma_start3A_456 = arith.constant 0 : i32
    %dma_start3A_457 = tpu.memref_slice %arg10[%dma_start3A_451, %dma_start3A_455, %dma_start3A_456] : memref<6x1024x128xf32, #tpu.memory_space<vmem>> -> memref<1x1024x128xf32, #tpu.memory_space<vmem>>
    %dma_start3A_458 = tpu.memref_squeeze %dma_start3A_457 : memref<1x1024x128xf32, #tpu.memory_space<vmem>> -> memref<1024x128xf32, #tpu.memory_space<vmem>>
    %dma_start3A_459 = arith.constant 11264 : i32
    %dma_start3A_460 = arith.constant 0 : i32
    %dma_start3A_461 = tpu.memref_slice %arg0[%dma_start3A_459, %dma_start3A_460] : memref<16384x128xf32, #tpu.memory_space<any>> -> memref<1024x128xf32, #tpu.memory_space<any>>
    tpu.enqueue_dma source(%dma_start3A_461 : memref<1024x128xf32, #tpu.memory_space<any>>) target(%dma_start3A_458 : memref<1024x128xf32, #tpu.memory_space<vmem>>) target_semaphore(%dma_start3A_454 : memref<!tpu.dma_semaphore, #tpu.memory_space<semaphore_mem>>)
    %dma_wait3A_462 = arith.constant 0 : i32
    %dma_wait3A_463 = arith.constant 0 : i32
    %dma_wait3A_464 = tpu.memref_slice %arg12[%dma_wait3A_463] : memref<6x!tpu.dma_semaphore, #tpu.memory_space<semaphore_mem>> -> memref<1x!tpu.dma_semaphore, #tpu.memory_space<semaphore_mem>>
    %dma_wait3A_465 = tpu.memref_squeeze %dma_wait3A_464 : memref<1x!tpu.dma_semaphore, #tpu.memory_space<semaphore_mem>> -> memref<!tpu.dma_semaphore, #tpu.memory_space<semaphore_mem>>
    %dma_wait3A_466 = arith.constant 0 : i32
    %dma_wait3A_467 = arith.constant 0 : i32
    %dma_wait3A_468 = tpu.memref_slice %arg10[%dma_wait3A_462, %dma_wait3A_466, %dma_wait3A_467] : memref<6x1024x128xf32, #tpu.memory_space<vmem>> -> memref<1x1024x128xf32, #tpu.memory_space<vmem>>
    %dma_wait3A_469 = tpu.memref_squeeze %dma_wait3A_468 : memref<1x1024x128xf32, #tpu.memory_space<vmem>> -> memref<1024x128xf32, #tpu.memory_space<vmem>>
    %dma_wait3A_470 = arith.constant 6144 : i32
    %dma_wait3A_471 = arith.constant 0 : i32
    %dma_wait3A_472 = tpu.memref_slice %arg0[%dma_wait3A_470, %dma_wait3A_471] : memref<16384x128xf32, #tpu.memory_space<any>> -> memref<1024x128xf32, #tpu.memory_space<any>>
    tpu.wait_dma2 semaphore(%dma_wait3A_465 : memref<!tpu.dma_semaphore, #tpu.memory_space<semaphore_mem>>) src(%dma_wait3A_472 : memref<1024x128xf32, #tpu.memory_space<any>>) dst(%dma_wait3A_469 : memref<1024x128xf32, #tpu.memory_space<vmem>>)
    %get3A_473 = arith.constant 6144 : index
    %get3A_474 = vector.load %arg1[%get3A_473] : memref<16384xi32, #tpu.memory_space<vmem>>, vector<1024xi32>
    %reshape3A_475 = vector.shape_cast %get3A_474 : vector<1024xi32> to vector<1x1024xi32>
    %iota3A_476 = tpu.iota {dimensions = array<i32: 0>} : vector<100x1024xi32>
    %eq3A_477 = vector.broadcast %reshape3A_475 : vector<1x1024xi32> to vector<100x1024xi32>
    %eq3A_478 = arith.cmpi eq, %eq3A_477, %iota3A_476 : vector<100x1024xi32>
    %convert_element_type3A_479 = arith.extui %eq3A_478 : vector<100x1024xi1> to vector<100x1024xi32>
    %convert_element_type3A_480 = arith.sitofp %convert_element_type3A_479 : vector<100x1024xi32> to vector<100x1024xf32>
    %convert_element_type3A_481 = arith.truncf %convert_element_type3A_480 : vector<100x1024xf32> to vector<100x1024xbf16>
    %get3A_482 = arith.constant 0 : index
    %get3A_483 = arith.constant 0 : index
    %get3A_484 = arith.constant 0 : index
    %get3A_485 = vector.load %arg10[%get3A_482, %get3A_483, %get3A_484] : memref<6x1024x128xf32, #tpu.memory_space<vmem>>, vector<1x1024x128xf32>
    %get3A_486 = vector.shape_cast %get3A_485 : vector<1x1024x128xf32> to vector<1024x128xf32>
    %convert_element_type3A_487 = arith.truncf %get3A_486 : vector<1024x128xf32> to vector<1024x128xbf16>
    %convert_element_type3A_488 = arith.truncf %slice3A : vector<128x128xf32> to vector<128x128xbf16>
    %dot_general3A_489 = arith.constant dense<0.000000e+00> : vector<1024x128xf32>
    %dot_general3A_490 = tpu.matmul %convert_element_type3A_487, %convert_element_type3A_488, %dot_general3A_489 {dimension_numbers = #tpu.dot_dimension_numbers<[1], [1], [0], [0], [0, 0, 1, 0], [], []>, transpose_lhs_hint = false} : vector<1024x128xbf16>, vector<128x128xbf16>, vector<1024x128xf32> -> vector<1024x128xf32>
    %convert_element_type3A_491 = arith.truncf %dot_general3A_23 : vector<100x128xf32> to vector<100x128xbf16>
    %dot_general3A_492 = arith.constant dense<0.000000e+00> : vector<1024x128xf32>
    %dot_general3A_493 = tpu.matmul %convert_element_type3A_481, %convert_element_type3A_491, %dot_general3A_492 {dimension_numbers = #tpu.dot_dimension_numbers<[0], [0], [1], [1], [0, 1, 1, 1], [], []>, transpose_lhs_hint = false} : vector<100x1024xbf16>, vector<100x128xbf16>, vector<1024x128xf32> -> vector<1024x128xf32>
    %add3A_494 = arith.addf %dot_general3A_490, %dot_general3A_493 : vector<1024x128xf32>
    %dma_wait3A_495 = arith.constant 0 : i32
    %dma_wait3A_496 = arith.constant 0 : i32
    %dma_wait3A_497 = tpu.memref_slice %arg13[%dma_wait3A_496] : memref<6x!tpu.dma_semaphore, #tpu.memory_space<semaphore_mem>> -> memref<1x!tpu.dma_semaphore, #tpu.memory_space<semaphore_mem>>
    %dma_wait3A_498 = tpu.memref_squeeze %dma_wait3A_497 : memref<1x!tpu.dma_semaphore, #tpu.memory_space<semaphore_mem>> -> memref<!tpu.dma_semaphore, #tpu.memory_space<semaphore_mem>>
    %dma_wait3A_499 = arith.constant 0 : i32
    %dma_wait3A_500 = arith.constant 0 : i32
    %dma_wait3A_501 = tpu.memref_slice %arg9[%dma_wait3A_499, %dma_wait3A_500] : memref<16384x128xf32, #tpu.memory_space<any>> -> memref<1024x128xf32, #tpu.memory_space<any>>
    %dma_wait3A_502 = arith.constant 0 : i32
    %dma_wait3A_503 = arith.constant 0 : i32
    %dma_wait3A_504 = tpu.memref_slice %arg11[%dma_wait3A_495, %dma_wait3A_502, %dma_wait3A_503] : memref<6x1024x128xf32, #tpu.memory_space<vmem>> -> memref<1x1024x128xf32, #tpu.memory_space<vmem>>
    %dma_wait3A_505 = tpu.memref_squeeze %dma_wait3A_504 : memref<1x1024x128xf32, #tpu.memory_space<vmem>> -> memref<1024x128xf32, #tpu.memory_space<vmem>>
    tpu.wait_dma2 semaphore(%dma_wait3A_498 : memref<!tpu.dma_semaphore, #tpu.memory_space<semaphore_mem>>) src(%dma_wait3A_505 : memref<1024x128xf32, #tpu.memory_space<vmem>>) dst(%dma_wait3A_501 : memref<1024x128xf32, #tpu.memory_space<any>>)
    %add3A_506 = vector.broadcast %add3A : vector<1x128xf32> to vector<1024x128xf32>
    %add3A_507 = arith.addf %add3A_494, %add3A_506 : vector<1024x128xf32>
    %swap3A_508 = arith.constant 0 : index
    %swap3A_509 = arith.constant 0 : index
    %swap3A_510 = arith.constant 0 : index
    %swap3A_511 = vector.load %arg11[%swap3A_508, %swap3A_509, %swap3A_510] : memref<6x1024x128xf32, #tpu.memory_space<vmem>>, vector<1x1024x128xf32>
    %swap3A_512 = vector.shape_cast %swap3A_511 : vector<1x1024x128xf32> to vector<1024x128xf32>
    %swap3A_513 = vector.shape_cast %add3A_507 : vector<1024x128xf32> to vector<1x1024x128xf32>
    tpu.vector_store %arg11[%swap3A_508, %swap3A_509, %swap3A_510], %swap3A_513 {strides = array<i32>} : memref<6x1024x128xf32, #tpu.memory_space<vmem>>, vector<1x1024x128xf32>,
    %dma_start3A_514 = arith.constant 0 : i32
    %dma_start3A_515 = arith.constant 0 : i32
    %dma_start3A_516 = tpu.memref_slice %arg13[%dma_start3A_515] : memref<6x!tpu.dma_semaphore, #tpu.memory_space<semaphore_mem>> -> memref<1x!tpu.dma_semaphore, #tpu.memory_space<semaphore_mem>>
    %dma_start3A_517 = tpu.memref_squeeze %dma_start3A_516 : memref<1x!tpu.dma_semaphore, #tpu.memory_space<semaphore_mem>> -> memref<!tpu.dma_semaphore, #tpu.memory_space<semaphore_mem>>
    %dma_start3A_518 = arith.constant 6144 : i32
    %dma_start3A_519 = arith.constant 0 : i32
    %dma_start3A_520 = tpu.memref_slice %arg9[%dma_start3A_518, %dma_start3A_519] : memref<16384x128xf32, #tpu.memory_space<any>> -> memref<1024x128xf32, #tpu.memory_space<any>>
    %dma_start3A_521 = arith.constant 0 : i32
    %dma_start3A_522 = arith.constant 0 : i32
    %dma_start3A_523 = tpu.memref_slice %arg11[%dma_start3A_514, %dma_start3A_521, %dma_start3A_522] : memref<6x1024x128xf32, #tpu.memory_space<vmem>> -> memref<1x1024x128xf32, #tpu.memory_space<vmem>>
    %dma_start3A_524 = tpu.memref_squeeze %dma_start3A_523 : memref<1x1024x128xf32, #tpu.memory_space<vmem>> -> memref<1024x128xf32, #tpu.memory_space<vmem>>
    tpu.enqueue_dma source(%dma_start3A_524 : memref<1024x128xf32, #tpu.memory_space<vmem>>) target(%dma_start3A_520 : memref<1024x128xf32, #tpu.memory_space<any>>) target_semaphore(%dma_start3A_517 : memref<!tpu.dma_semaphore, #tpu.memory_space<semaphore_mem>>)
    %dma_start3A_525 = arith.constant 0 : i32
    %dma_start3A_526 = arith.constant 0 : i32
    %dma_start3A_527 = tpu.memref_slice %arg12[%dma_start3A_526] : memref<6x!tpu.dma_semaphore, #tpu.memory_space<semaphore_mem>> -> memref<1x!tpu.dma_semaphore, #tpu.memory_space<semaphore_mem>>
    %dma_start3A_528 = tpu.memref_squeeze %dma_start3A_527 : memref<1x!tpu.dma_semaphore, #tpu.memory_space<semaphore_mem>> -> memref<!tpu.dma_semaphore, #tpu.memory_space<semaphore_mem>>
    %dma_start3A_529 = arith.constant 0 : i32
    %dma_start3A_530 = arith.constant 0 : i32
    %dma_start3A_531 = tpu.memref_slice %arg10[%dma_start3A_525, %dma_start3A_529, %dma_start3A_530] : memref<6x1024x128xf32, #tpu.memory_space<vmem>> -> memref<1x1024x128xf32, #tpu.memory_space<vmem>>
    %dma_start3A_532 = tpu.memref_squeeze %dma_start3A_531 : memref<1x1024x128xf32, #tpu.memory_space<vmem>> -> memref<1024x128xf32, #tpu.memory_space<vmem>>
    %dma_start3A_533 = arith.constant 12288 : i32
    %dma_start3A_534 = arith.constant 0 : i32
    %dma_start3A_535 = tpu.memref_slice %arg0[%dma_start3A_533, %dma_start3A_534] : memref<16384x128xf32, #tpu.memory_space<any>> -> memref<1024x128xf32, #tpu.memory_space<any>>
    tpu.enqueue_dma source(%dma_start3A_535 : memref<1024x128xf32, #tpu.memory_space<any>>) target(%dma_start3A_532 : memref<1024x128xf32, #tpu.memory_space<vmem>>) target_semaphore(%dma_start3A_528 : memref<!tpu.dma_semaphore, #tpu.memory_space<semaphore_mem>>)
    %dma_wait3A_536 = arith.constant 1 : i32
    %dma_wait3A_537 = arith.constant 1 : i32
    %dma_wait3A_538 = tpu.memref_slice %arg12[%dma_wait3A_537] : memref<6x!tpu.dma_semaphore, #tpu.memory_space<semaphore_mem>> -> memref<1x!tpu.dma_semaphore, #tpu.memory_space<semaphore_mem>>
    %dma_wait3A_539 = tpu.memref_squeeze %dma_wait3A_538 : memref<1x!tpu.dma_semaphore, #tpu.memory_space<semaphore_mem>> -> memref<!tpu.dma_semaphore, #tpu.memory_space<semaphore_mem>>
    %dma_wait3A_540 = arith.constant 0 : i32
    %dma_wait3A_541 = arith.constant 0 : i32
    %dma_wait3A_542 = tpu.memref_slice %arg10[%dma_wait3A_536, %dma_wait3A_540, %dma_wait3A_541] : memref<6x1024x128xf32, #tpu.memory_space<vmem>> -> memref<1x1024x128xf32, #tpu.memory_space<vmem>>
    %dma_wait3A_543 = tpu.memref_squeeze %dma_wait3A_542 : memref<1x1024x128xf32, #tpu.memory_space<vmem>> -> memref<1024x128xf32, #tpu.memory_space<vmem>>
    %dma_wait3A_544 = arith.constant 7168 : i32
    %dma_wait3A_545 = arith.constant 0 : i32
    %dma_wait3A_546 = tpu.memref_slice %arg0[%dma_wait3A_544, %dma_wait3A_545] : memref<16384x128xf32, #tpu.memory_space<any>> -> memref<1024x128xf32, #tpu.memory_space<any>>
    tpu.wait_dma2 semaphore(%dma_wait3A_539 : memref<!tpu.dma_semaphore, #tpu.memory_space<semaphore_mem>>) src(%dma_wait3A_546 : memref<1024x128xf32, #tpu.memory_space<any>>) dst(%dma_wait3A_543 : memref<1024x128xf32, #tpu.memory_space<vmem>>)
    %get3A_547 = arith.constant 7168 : index
    %get3A_548 = vector.load %arg1[%get3A_547] : memref<16384xi32, #tpu.memory_space<vmem>>, vector<1024xi32>
    %reshape3A_549 = vector.shape_cast %get3A_548 : vector<1024xi32> to vector<1x1024xi32>
    %iota3A_550 = tpu.iota {dimensions = array<i32: 0>} : vector<100x1024xi32>
    %eq3A_551 = vector.broadcast %reshape3A_549 : vector<1x1024xi32> to vector<100x1024xi32>
    %eq3A_552 = arith.cmpi eq, %eq3A_551, %iota3A_550 : vector<100x1024xi32>
    %convert_element_type3A_553 = arith.extui %eq3A_552 : vector<100x1024xi1> to vector<100x1024xi32>
    %convert_element_type3A_554 = arith.sitofp %convert_element_type3A_553 : vector<100x1024xi32> to vector<100x1024xf32>
    %convert_element_type3A_555 = arith.truncf %convert_element_type3A_554 : vector<100x1024xf32> to vector<100x1024xbf16>
    %get3A_556 = arith.constant 1 : index
    %get3A_557 = arith.constant 0 : index
    %get3A_558 = arith.constant 0 : index
    %get3A_559 = vector.load %arg10[%get3A_556, %get3A_557, %get3A_558] : memref<6x1024x128xf32, #tpu.memory_space<vmem>>, vector<1x1024x128xf32>
    %get3A_560 = vector.shape_cast %get3A_559 : vector<1x1024x128xf32> to vector<1024x128xf32>
    %convert_element_type3A_561 = arith.truncf %get3A_560 : vector<1024x128xf32> to vector<1024x128xbf16>
    %convert_element_type3A_562 = arith.truncf %slice3A : vector<128x128xf32> to vector<128x128xbf16>
    %dot_general3A_563 = arith.constant dense<0.000000e+00> : vector<1024x128xf32>
    %dot_general3A_564 = tpu.matmul %convert_element_type3A_561, %convert_element_type3A_562, %dot_general3A_563 {dimension_numbers = #tpu.dot_dimension_numbers<[1], [1], [0], [0], [0, 0, 1, 0], [], []>, transpose_lhs_hint = false} : vector<1024x128xbf16>, vector<128x128xbf16>, vector<1024x128xf32> -> vector<1024x128xf32>
    %convert_element_type3A_565 = arith.truncf %dot_general3A_23 : vector<100x128xf32> to vector<100x128xbf16>
    %dot_general3A_566 = arith.constant dense<0.000000e+00> : vector<1024x128xf32>
    %dot_general3A_567 = tpu.matmul %convert_element_type3A_555, %convert_element_type3A_565, %dot_general3A_566 {dimension_numbers = #tpu.dot_dimension_numbers<[0], [0], [1], [1], [0, 1, 1, 1], [], []>, transpose_lhs_hint = false} : vector<100x1024xbf16>, vector<100x128xbf16>, vector<1024x128xf32> -> vector<1024x128xf32>
    %add3A_568 = arith.addf %dot_general3A_564, %dot_general3A_567 : vector<1024x128xf32>
    %dma_wait3A_569 = arith.constant 1 : i32
    %dma_wait3A_570 = arith.constant 1 : i32
    %dma_wait3A_571 = tpu.memref_slice %arg13[%dma_wait3A_570] : memref<6x!tpu.dma_semaphore, #tpu.memory_space<semaphore_mem>> -> memref<1x!tpu.dma_semaphore, #tpu.memory_space<semaphore_mem>>
    %dma_wait3A_572 = tpu.memref_squeeze %dma_wait3A_571 : memref<1x!tpu.dma_semaphore, #tpu.memory_space<semaphore_mem>> -> memref<!tpu.dma_semaphore, #tpu.memory_space<semaphore_mem>>
    %dma_wait3A_573 = arith.constant 1024 : i32
    %dma_wait3A_574 = arith.constant 0 : i32
    %dma_wait3A_575 = tpu.memref_slice %arg9[%dma_wait3A_573, %dma_wait3A_574] : memref<16384x128xf32, #tpu.memory_space<any>> -> memref<1024x128xf32, #tpu.memory_space<any>>
    %dma_wait3A_576 = arith.constant 0 : i32
    %dma_wait3A_577 = arith.constant 0 : i32
    %dma_wait3A_578 = tpu.memref_slice %arg11[%dma_wait3A_569, %dma_wait3A_576, %dma_wait3A_577] : memref<6x1024x128xf32, #tpu.memory_space<vmem>> -> memref<1x1024x128xf32, #tpu.memory_space<vmem>>
    %dma_wait3A_579 = tpu.memref_squeeze %dma_wait3A_578 : memref<1x1024x128xf32, #tpu.memory_space<vmem>> -> memref<1024x128xf32, #tpu.memory_space<vmem>>
    tpu.wait_dma2 semaphore(%dma_wait3A_572 : memref<!tpu.dma_semaphore, #tpu.memory_space<semaphore_mem>>) src(%dma_wait3A_579 : memref<1024x128xf32, #tpu.memory_space<vmem>>) dst(%dma_wait3A_575 : memref<1024x128xf32, #tpu.memory_space<any>>)
    %add3A_580 = vector.broadcast %add3A : vector<1x128xf32> to vector<1024x128xf32>
    %add3A_581 = arith.addf %add3A_568, %add3A_580 : vector<1024x128xf32>
    %swap3A_582 = arith.constant 1 : index
    %swap3A_583 = arith.constant 0 : index
    %swap3A_584 = arith.constant 0 : index
    %swap3A_585 = vector.load %arg11[%swap3A_582, %swap3A_583, %swap3A_584] : memref<6x1024x128xf32, #tpu.memory_space<vmem>>, vector<1x1024x128xf32>
    %swap3A_586 = vector.shape_cast %swap3A_585 : vector<1x1024x128xf32> to vector<1024x128xf32>
    %swap3A_587 = vector.shape_cast %add3A_581 : vector<1024x128xf32> to vector<1x1024x128xf32>
    tpu.vector_store %arg11[%swap3A_582, %swap3A_583, %swap3A_584], %swap3A_587 {strides = array<i32>} : memref<6x1024x128xf32, #tpu.memory_space<vmem>>, vector<1x1024x128xf32>,
    %dma_start3A_588 = arith.constant 1 : i32
    %dma_start3A_589 = arith.constant 1 : i32
    %dma_start3A_590 = tpu.memref_slice %arg13[%dma_start3A_589] : memref<6x!tpu.dma_semaphore, #tpu.memory_space<semaphore_mem>> -> memref<1x!tpu.dma_semaphore, #tpu.memory_space<semaphore_mem>>
    %dma_start3A_591 = tpu.memref_squeeze %dma_start3A_590 : memref<1x!tpu.dma_semaphore, #tpu.memory_space<semaphore_mem>> -> memref<!tpu.dma_semaphore, #tpu.memory_space<semaphore_mem>>
    %dma_start3A_592 = arith.constant 7168 : i32
    %dma_start3A_593 = arith.constant 0 : i32
    %dma_start3A_594 = tpu.memref_slice %arg9[%dma_start3A_592, %dma_start3A_593] : memref<16384x128xf32, #tpu.memory_space<any>> -> memref<1024x128xf32, #tpu.memory_space<any>>
    %dma_start3A_595 = arith.constant 0 : i32
    %dma_start3A_596 = arith.constant 0 : i32
    %dma_start3A_597 = tpu.memref_slice %arg11[%dma_start3A_588, %dma_start3A_595, %dma_start3A_596] : memref<6x1024x128xf32, #tpu.memory_space<vmem>> -> memref<1x1024x128xf32, #tpu.memory_space<vmem>>
    %dma_start3A_598 = tpu.memref_squeeze %dma_start3A_597 : memref<1x1024x128xf32, #tpu.memory_space<vmem>> -> memref<1024x128xf32, #tpu.memory_space<vmem>>
    tpu.enqueue_dma source(%dma_start3A_598 : memref<1024x128xf32, #tpu.memory_space<vmem>>) target(%dma_start3A_594 : memref<1024x128xf32, #tpu.memory_space<any>>) target_semaphore(%dma_start3A_591 : memref<!tpu.dma_semaphore, #tpu.memory_space<semaphore_mem>>)
    %dma_start3A_599 = arith.constant 1 : i32
    %dma_start3A_600 = arith.constant 1 : i32
    %dma_start3A_601 = tpu.memref_slice %arg12[%dma_start3A_600] : memref<6x!tpu.dma_semaphore, #tpu.memory_space<semaphore_mem>> -> memref<1x!tpu.dma_semaphore, #tpu.memory_space<semaphore_mem>>
    %dma_start3A_602 = tpu.memref_squeeze %dma_start3A_601 : memref<1x!tpu.dma_semaphore, #tpu.memory_space<semaphore_mem>> -> memref<!tpu.dma_semaphore, #tpu.memory_space<semaphore_mem>>
    %dma_start3A_603 = arith.constant 0 : i32
    %dma_start3A_604 = arith.constant 0 : i32
    %dma_start3A_605 = tpu.memref_slice %arg10[%dma_start3A_599, %dma_start3A_603, %dma_start3A_604] : memref<6x1024x128xf32, #tpu.memory_space<vmem>> -> memref<1x1024x128xf32, #tpu.memory_space<vmem>>
    %dma_start3A_606 = tpu.memref_squeeze %dma_start3A_605 : memref<1x1024x128xf32, #tpu.memory_space<vmem>> -> memref<1024x128xf32, #tpu.memory_space<vmem>>
    %dma_start3A_607 = arith.constant 13312 : i32
    %dma_start3A_608 = arith.constant 0 : i32
    %dma_start3A_609 = tpu.memref_slice %arg0[%dma_start3A_607, %dma_start3A_608] : memref<16384x128xf32, #tpu.memory_space<any>> -> memref<1024x128xf32, #tpu.memory_space<any>>
    tpu.enqueue_dma source(%dma_start3A_609 : memref<1024x128xf32, #tpu.memory_space<any>>) target(%dma_start3A_606 : memref<1024x128xf32, #tpu.memory_space<vmem>>) target_semaphore(%dma_start3A_602 : memref<!tpu.dma_semaphore, #tpu.memory_space<semaphore_mem>>)
    %dma_wait3A_610 = arith.constant 2 : i32
    %dma_wait3A_611 = arith.constant 2 : i32
    %dma_wait3A_612 = tpu.memref_slice %arg12[%dma_wait3A_611] : memref<6x!tpu.dma_semaphore, #tpu.memory_space<semaphore_mem>> -> memref<1x!tpu.dma_semaphore, #tpu.memory_space<semaphore_mem>>
    %dma_wait3A_613 = tpu.memref_squeeze %dma_wait3A_612 : memref<1x!tpu.dma_semaphore, #tpu.memory_space<semaphore_mem>> -> memref<!tpu.dma_semaphore, #tpu.memory_space<semaphore_mem>>
    %dma_wait3A_614 = arith.constant 0 : i32
    %dma_wait3A_615 = arith.constant 0 : i32
    %dma_wait3A_616 = tpu.memref_slice %arg10[%dma_wait3A_610, %dma_wait3A_614, %dma_wait3A_615] : memref<6x1024x128xf32, #tpu.memory_space<vmem>> -> memref<1x1024x128xf32, #tpu.memory_space<vmem>>
    %dma_wait3A_617 = tpu.memref_squeeze %dma_wait3A_616 : memref<1x1024x128xf32, #tpu.memory_space<vmem>> -> memref<1024x128xf32, #tpu.memory_space<vmem>>
    %dma_wait3A_618 = arith.constant 8192 : i32
    %dma_wait3A_619 = arith.constant 0 : i32
    %dma_wait3A_620 = tpu.memref_slice %arg0[%dma_wait3A_618, %dma_wait3A_619] : memref<16384x128xf32, #tpu.memory_space<any>> -> memref<1024x128xf32, #tpu.memory_space<any>>
    tpu.wait_dma2 semaphore(%dma_wait3A_613 : memref<!tpu.dma_semaphore, #tpu.memory_space<semaphore_mem>>) src(%dma_wait3A_620 : memref<1024x128xf32, #tpu.memory_space<any>>) dst(%dma_wait3A_617 : memref<1024x128xf32, #tpu.memory_space<vmem>>)
    %get3A_621 = arith.constant 8192 : index
    %get3A_622 = vector.load %arg1[%get3A_621] : memref<16384xi32, #tpu.memory_space<vmem>>, vector<1024xi32>
    %reshape3A_623 = vector.shape_cast %get3A_622 : vector<1024xi32> to vector<1x1024xi32>
    %iota3A_624 = tpu.iota {dimensions = array<i32: 0>} : vector<100x1024xi32>
    %eq3A_625 = vector.broadcast %reshape3A_623 : vector<1x1024xi32> to vector<100x1024xi32>
    %eq3A_626 = arith.cmpi eq, %eq3A_625, %iota3A_624 : vector<100x1024xi32>
    %convert_element_type3A_627 = arith.extui %eq3A_626 : vector<100x1024xi1> to vector<100x1024xi32>
    %convert_element_type3A_628 = arith.sitofp %convert_element_type3A_627 : vector<100x1024xi32> to vector<100x1024xf32>
    %convert_element_type3A_629 = arith.truncf %convert_element_type3A_628 : vector<100x1024xf32> to vector<100x1024xbf16>
    %get3A_630 = arith.constant 2 : index
    %get3A_631 = arith.constant 0 : index
    %get3A_632 = arith.constant 0 : index
    %get3A_633 = vector.load %arg10[%get3A_630, %get3A_631, %get3A_632] : memref<6x1024x128xf32, #tpu.memory_space<vmem>>, vector<1x1024x128xf32>
    %get3A_634 = vector.shape_cast %get3A_633 : vector<1x1024x128xf32> to vector<1024x128xf32>
    %convert_element_type3A_635 = arith.truncf %get3A_634 : vector<1024x128xf32> to vector<1024x128xbf16>
    %convert_element_type3A_636 = arith.truncf %slice3A : vector<128x128xf32> to vector<128x128xbf16>
    %dot_general3A_637 = arith.constant dense<0.000000e+00> : vector<1024x128xf32>
    %dot_general3A_638 = tpu.matmul %convert_element_type3A_635, %convert_element_type3A_636, %dot_general3A_637 {dimension_numbers = #tpu.dot_dimension_numbers<[1], [1], [0], [0], [0, 0, 1, 0], [], []>, transpose_lhs_hint = false} : vector<1024x128xbf16>, vector<128x128xbf16>, vector<1024x128xf32> -> vector<1024x128xf32>
    %convert_element_type3A_639 = arith.truncf %dot_general3A_23 : vector<100x128xf32> to vector<100x128xbf16>
    %dot_general3A_640 = arith.constant dense<0.000000e+00> : vector<1024x128xf32>
    %dot_general3A_641 = tpu.matmul %convert_element_type3A_629, %convert_element_type3A_639, %dot_general3A_640 {dimension_numbers = #tpu.dot_dimension_numbers<[0], [0], [1], [1], [0, 1, 1, 1], [], []>, transpose_lhs_hint = false} : vector<100x1024xbf16>, vector<100x128xbf16>, vector<1024x128xf32> -> vector<1024x128xf32>
    %add3A_642 = arith.addf %dot_general3A_638, %dot_general3A_641 : vector<1024x128xf32>
    %dma_wait3A_643 = arith.constant 2 : i32
    %dma_wait3A_644 = arith.constant 2 : i32
    %dma_wait3A_645 = tpu.memref_slice %arg13[%dma_wait3A_644] : memref<6x!tpu.dma_semaphore, #tpu.memory_space<semaphore_mem>> -> memref<1x!tpu.dma_semaphore, #tpu.memory_space<semaphore_mem>>
    %dma_wait3A_646 = tpu.memref_squeeze %dma_wait3A_645 : memref<1x!tpu.dma_semaphore, #tpu.memory_space<semaphore_mem>> -> memref<!tpu.dma_semaphore, #tpu.memory_space<semaphore_mem>>
    %dma_wait3A_647 = arith.constant 2048 : i32
    %dma_wait3A_648 = arith.constant 0 : i32
    %dma_wait3A_649 = tpu.memref_slice %arg9[%dma_wait3A_647, %dma_wait3A_648] : memref<16384x128xf32, #tpu.memory_space<any>> -> memref<1024x128xf32, #tpu.memory_space<any>>
    %dma_wait3A_650 = arith.constant 0 : i32
    %dma_wait3A_651 = arith.constant 0 : i32
    %dma_wait3A_652 = tpu.memref_slice %arg11[%dma_wait3A_643, %dma_wait3A_650, %dma_wait3A_651] : memref<6x1024x128xf32, #tpu.memory_space<vmem>> -> memref<1x1024x128xf32, #tpu.memory_space<vmem>>
    %dma_wait3A_653 = tpu.memref_squeeze %dma_wait3A_652 : memref<1x1024x128xf32, #tpu.memory_space<vmem>> -> memref<1024x128xf32, #tpu.memory_space<vmem>>
    tpu.wait_dma2 semaphore(%dma_wait3A_646 : memref<!tpu.dma_semaphore, #tpu.memory_space<semaphore_mem>>) src(%dma_wait3A_653 : memref<1024x128xf32, #tpu.memory_space<vmem>>) dst(%dma_wait3A_649 : memref<1024x128xf32, #tpu.memory_space<any>>)
    %add3A_654 = vector.broadcast %add3A : vector<1x128xf32> to vector<1024x128xf32>
    %add3A_655 = arith.addf %add3A_642, %add3A_654 : vector<1024x128xf32>
    %swap3A_656 = arith.constant 2 : index
    %swap3A_657 = arith.constant 0 : index
    %swap3A_658 = arith.constant 0 : index
    %swap3A_659 = vector.load %arg11[%swap3A_656, %swap3A_657, %swap3A_658] : memref<6x1024x128xf32, #tpu.memory_space<vmem>>, vector<1x1024x128xf32>
    %swap3A_660 = vector.shape_cast %swap3A_659 : vector<1x1024x128xf32> to vector<1024x128xf32>
    %swap3A_661 = vector.shape_cast %add3A_655 : vector<1024x128xf32> to vector<1x1024x128xf32>
    tpu.vector_store %arg11[%swap3A_656, %swap3A_657, %swap3A_658], %swap3A_661 {strides = array<i32>} : memref<6x1024x128xf32, #tpu.memory_space<vmem>>, vector<1x1024x128xf32>,
    %dma_start3A_662 = arith.constant 2 : i32
    %dma_start3A_663 = arith.constant 2 : i32
    %dma_start3A_664 = tpu.memref_slice %arg13[%dma_start3A_663] : memref<6x!tpu.dma_semaphore, #tpu.memory_space<semaphore_mem>> -> memref<1x!tpu.dma_semaphore, #tpu.memory_space<semaphore_mem>>
    %dma_start3A_665 = tpu.memref_squeeze %dma_start3A_664 : memref<1x!tpu.dma_semaphore, #tpu.memory_space<semaphore_mem>> -> memref<!tpu.dma_semaphore, #tpu.memory_space<semaphore_mem>>
    %dma_start3A_666 = arith.constant 8192 : i32
    %dma_start3A_667 = arith.constant 0 : i32
    %dma_start3A_668 = tpu.memref_slice %arg9[%dma_start3A_666, %dma_start3A_667] : memref<16384x128xf32, #tpu.memory_space<any>> -> memref<1024x128xf32, #tpu.memory_space<any>>
    %dma_start3A_669 = arith.constant 0 : i32
    %dma_start3A_670 = arith.constant 0 : i32
    %dma_start3A_671 = tpu.memref_slice %arg11[%dma_start3A_662, %dma_start3A_669, %dma_start3A_670] : memref<6x1024x128xf32, #tpu.memory_space<vmem>> -> memref<1x1024x128xf32, #tpu.memory_space<vmem>>
    %dma_start3A_672 = tpu.memref_squeeze %dma_start3A_671 : memref<1x1024x128xf32, #tpu.memory_space<vmem>> -> memref<1024x128xf32, #tpu.memory_space<vmem>>
    tpu.enqueue_dma source(%dma_start3A_672 : memref<1024x128xf32, #tpu.memory_space<vmem>>) target(%dma_start3A_668 : memref<1024x128xf32, #tpu.memory_space<any>>) target_semaphore(%dma_start3A_665 : memref<!tpu.dma_semaphore, #tpu.memory_space<semaphore_mem>>)
    %dma_start3A_673 = arith.constant 2 : i32
    %dma_start3A_674 = arith.constant 2 : i32
    %dma_start3A_675 = tpu.memref_slice %arg12[%dma_start3A_674] : memref<6x!tpu.dma_semaphore, #tpu.memory_space<semaphore_mem>> -> memref<1x!tpu.dma_semaphore, #tpu.memory_space<semaphore_mem>>
    %dma_start3A_676 = tpu.memref_squeeze %dma_start3A_675 : memref<1x!tpu.dma_semaphore, #tpu.memory_space<semaphore_mem>> -> memref<!tpu.dma_semaphore, #tpu.memory_space<semaphore_mem>>
    %dma_start3A_677 = arith.constant 0 : i32
    %dma_start3A_678 = arith.constant 0 : i32
    %dma_start3A_679 = tpu.memref_slice %arg10[%dma_start3A_673, %dma_start3A_677, %dma_start3A_678] : memref<6x1024x128xf32, #tpu.memory_space<vmem>> -> memref<1x1024x128xf32, #tpu.memory_space<vmem>>
    %dma_start3A_680 = tpu.memref_squeeze %dma_start3A_679 : memref<1x1024x128xf32, #tpu.memory_space<vmem>> -> memref<1024x128xf32, #tpu.memory_space<vmem>>
    %dma_start3A_681 = arith.constant 14336 : i32
    %dma_start3A_682 = arith.constant 0 : i32
    %dma_start3A_683 = tpu.memref_slice %arg0[%dma_start3A_681, %dma_start3A_682] : memref<16384x128xf32, #tpu.memory_space<any>> -> memref<1024x128xf32, #tpu.memory_space<any>>
    tpu.enqueue_dma source(%dma_start3A_683 : memref<1024x128xf32, #tpu.memory_space<any>>) target(%dma_start3A_680 : memref<1024x128xf32, #tpu.memory_space<vmem>>) target_semaphore(%dma_start3A_676 : memref<!tpu.dma_semaphore, #tpu.memory_space<semaphore_mem>>)
    %dma_wait3A_684 = arith.constant 3 : i32
    %dma_wait3A_685 = arith.constant 3 : i32
    %dma_wait3A_686 = tpu.memref_slice %arg12[%dma_wait3A_685] : memref<6x!tpu.dma_semaphore, #tpu.memory_space<semaphore_mem>> -> memref<1x!tpu.dma_semaphore, #tpu.memory_space<semaphore_mem>>
    %dma_wait3A_687 = tpu.memref_squeeze %dma_wait3A_686 : memref<1x!tpu.dma_semaphore, #tpu.memory_space<semaphore_mem>> -> memref<!tpu.dma_semaphore, #tpu.memory_space<semaphore_mem>>
    %dma_wait3A_688 = arith.constant 0 : i32
    %dma_wait3A_689 = arith.constant 0 : i32
    %dma_wait3A_690 = tpu.memref_slice %arg10[%dma_wait3A_684, %dma_wait3A_688, %dma_wait3A_689] : memref<6x1024x128xf32, #tpu.memory_space<vmem>> -> memref<1x1024x128xf32, #tpu.memory_space<vmem>>
    %dma_wait3A_691 = tpu.memref_squeeze %dma_wait3A_690 : memref<1x1024x128xf32, #tpu.memory_space<vmem>> -> memref<1024x128xf32, #tpu.memory_space<vmem>>
    %dma_wait3A_692 = arith.constant 9216 : i32
    %dma_wait3A_693 = arith.constant 0 : i32
    %dma_wait3A_694 = tpu.memref_slice %arg0[%dma_wait3A_692, %dma_wait3A_693] : memref<16384x128xf32, #tpu.memory_space<any>> -> memref<1024x128xf32, #tpu.memory_space<any>>
    tpu.wait_dma2 semaphore(%dma_wait3A_687 : memref<!tpu.dma_semaphore, #tpu.memory_space<semaphore_mem>>) src(%dma_wait3A_694 : memref<1024x128xf32, #tpu.memory_space<any>>) dst(%dma_wait3A_691 : memref<1024x128xf32, #tpu.memory_space<vmem>>)
    %get3A_695 = arith.constant 9216 : index
    %get3A_696 = vector.load %arg1[%get3A_695] : memref<16384xi32, #tpu.memory_space<vmem>>, vector<1024xi32>
    %reshape3A_697 = vector.shape_cast %get3A_696 : vector<1024xi32> to vector<1x1024xi32>
    %iota3A_698 = tpu.iota {dimensions = array<i32: 0>} : vector<100x1024xi32>
    %eq3A_699 = vector.broadcast %reshape3A_697 : vector<1x1024xi32> to vector<100x1024xi32>
    %eq3A_700 = arith.cmpi eq, %eq3A_699, %iota3A_698 : vector<100x1024xi32>
    %convert_element_type3A_701 = arith.extui %eq3A_700 : vector<100x1024xi1> to vector<100x1024xi32>
    %convert_element_type3A_702 = arith.sitofp %convert_element_type3A_701 : vector<100x1024xi32> to vector<100x1024xf32>
    %convert_element_type3A_703 = arith.truncf %convert_element_type3A_702 : vector<100x1024xf32> to vector<100x1024xbf16>
    %get3A_704 = arith.constant 3 : index
    %get3A_705 = arith.constant 0 : index
    %get3A_706 = arith.constant 0 : index
    %get3A_707 = vector.load %arg10[%get3A_704, %get3A_705, %get3A_706] : memref<6x1024x128xf32, #tpu.memory_space<vmem>>, vector<1x1024x128xf32>
    %get3A_708 = vector.shape_cast %get3A_707 : vector<1x1024x128xf32> to vector<1024x128xf32>
    %convert_element_type3A_709 = arith.truncf %get3A_708 : vector<1024x128xf32> to vector<1024x128xbf16>
    %convert_element_type3A_710 = arith.truncf %slice3A : vector<128x128xf32> to vector<128x128xbf16>
    %dot_general3A_711 = arith.constant dense<0.000000e+00> : vector<1024x128xf32>
    %dot_general3A_712 = tpu.matmul %convert_element_type3A_709, %convert_element_type3A_710, %dot_general3A_711 {dimension_numbers = #tpu.dot_dimension_numbers<[1], [1], [0], [0], [0, 0, 1, 0], [], []>, transpose_lhs_hint = false} : vector<1024x128xbf16>, vector<128x128xbf16>, vector<1024x128xf32> -> vector<1024x128xf32>
    %convert_element_type3A_713 = arith.truncf %dot_general3A_23 : vector<100x128xf32> to vector<100x128xbf16>
    %dot_general3A_714 = arith.constant dense<0.000000e+00> : vector<1024x128xf32>
    %dot_general3A_715 = tpu.matmul %convert_element_type3A_703, %convert_element_type3A_713, %dot_general3A_714 {dimension_numbers = #tpu.dot_dimension_numbers<[0], [0], [1], [1], [0, 1, 1, 1], [], []>, transpose_lhs_hint = false} : vector<100x1024xbf16>, vector<100x128xbf16>, vector<1024x128xf32> -> vector<1024x128xf32>
    %add3A_716 = arith.addf %dot_general3A_712, %dot_general3A_715 : vector<1024x128xf32>
    %dma_wait3A_717 = arith.constant 3 : i32
    %dma_wait3A_718 = arith.constant 3 : i32
    %dma_wait3A_719 = tpu.memref_slice %arg13[%dma_wait3A_718] : memref<6x!tpu.dma_semaphore, #tpu.memory_space<semaphore_mem>> -> memref<1x!tpu.dma_semaphore, #tpu.memory_space<semaphore_mem>>
    %dma_wait3A_720 = tpu.memref_squeeze %dma_wait3A_719 : memref<1x!tpu.dma_semaphore, #tpu.memory_space<semaphore_mem>> -> memref<!tpu.dma_semaphore, #tpu.memory_space<semaphore_mem>>
    %dma_wait3A_721 = arith.constant 3072 : i32
    %dma_wait3A_722 = arith.constant 0 : i32
    %dma_wait3A_723 = tpu.memref_slice %arg9[%dma_wait3A_721, %dma_wait3A_722] : memref<16384x128xf32, #tpu.memory_space<any>> -> memref<1024x128xf32, #tpu.memory_space<any>>
    %dma_wait3A_724 = arith.constant 0 : i32
    %dma_wait3A_725 = arith.constant 0 : i32
    %dma_wait3A_726 = tpu.memref_slice %arg11[%dma_wait3A_717, %dma_wait3A_724, %dma_wait3A_725] : memref<6x1024x128xf32, #tpu.memory_space<vmem>> -> memref<1x1024x128xf32, #tpu.memory_space<vmem>>
    %dma_wait3A_727 = tpu.memref_squeeze %dma_wait3A_726 : memref<1x1024x128xf32, #tpu.memory_space<vmem>> -> memref<1024x128xf32, #tpu.memory_space<vmem>>
    tpu.wait_dma2 semaphore(%dma_wait3A_720 : memref<!tpu.dma_semaphore, #tpu.memory_space<semaphore_mem>>) src(%dma_wait3A_727 : memref<1024x128xf32, #tpu.memory_space<vmem>>) dst(%dma_wait3A_723 : memref<1024x128xf32, #tpu.memory_space<any>>)
    %add3A_728 = vector.broadcast %add3A : vector<1x128xf32> to vector<1024x128xf32>
    %add3A_729 = arith.addf %add3A_716, %add3A_728 : vector<1024x128xf32>
    %swap3A_730 = arith.constant 3 : index
    %swap3A_731 = arith.constant 0 : index
    %swap3A_732 = arith.constant 0 : index
    %swap3A_733 = vector.load %arg11[%swap3A_730, %swap3A_731, %swap3A_732] : memref<6x1024x128xf32, #tpu.memory_space<vmem>>, vector<1x1024x128xf32>
    %swap3A_734 = vector.shape_cast %swap3A_733 : vector<1x1024x128xf32> to vector<1024x128xf32>
    %swap3A_735 = vector.shape_cast %add3A_729 : vector<1024x128xf32> to vector<1x1024x128xf32>
    tpu.vector_store %arg11[%swap3A_730, %swap3A_731, %swap3A_732], %swap3A_735 {strides = array<i32>} : memref<6x1024x128xf32, #tpu.memory_space<vmem>>, vector<1x1024x128xf32>,
    %dma_start3A_736 = arith.constant 3 : i32
    %dma_start3A_737 = arith.constant 3 : i32
    %dma_start3A_738 = tpu.memref_slice %arg13[%dma_start3A_737] : memref<6x!tpu.dma_semaphore, #tpu.memory_space<semaphore_mem>> -> memref<1x!tpu.dma_semaphore, #tpu.memory_space<semaphore_mem>>
    %dma_start3A_739 = tpu.memref_squeeze %dma_start3A_738 : memref<1x!tpu.dma_semaphore, #tpu.memory_space<semaphore_mem>> -> memref<!tpu.dma_semaphore, #tpu.memory_space<semaphore_mem>>
    %dma_start3A_740 = arith.constant 9216 : i32
    %dma_start3A_741 = arith.constant 0 : i32
    %dma_start3A_742 = tpu.memref_slice %arg9[%dma_start3A_740, %dma_start3A_741] : memref<16384x128xf32, #tpu.memory_space<any>> -> memref<1024x128xf32, #tpu.memory_space<any>>
    %dma_start3A_743 = arith.constant 0 : i32
    %dma_start3A_744 = arith.constant 0 : i32
    %dma_start3A_745 = tpu.memref_slice %arg11[%dma_start3A_736, %dma_start3A_743, %dma_start3A_744] : memref<6x1024x128xf32, #tpu.memory_space<vmem>> -> memref<1x1024x128xf32, #tpu.memory_space<vmem>>
    %dma_start3A_746 = tpu.memref_squeeze %dma_start3A_745 : memref<1x1024x128xf32, #tpu.memory_space<vmem>> -> memref<1024x128xf32, #tpu.memory_space<vmem>>
    tpu.enqueue_dma source(%dma_start3A_746 : memref<1024x128xf32, #tpu.memory_space<vmem>>) target(%dma_start3A_742 : memref<1024x128xf32, #tpu.memory_space<any>>) target_semaphore(%dma_start3A_739 : memref<!tpu.dma_semaphore, #tpu.memory_space<semaphore_mem>>)
    %dma_start3A_747 = arith.constant 3 : i32
    %dma_start3A_748 = arith.constant 3 : i32
    %dma_start3A_749 = tpu.memref_slice %arg12[%dma_start3A_748] : memref<6x!tpu.dma_semaphore, #tpu.memory_space<semaphore_mem>> -> memref<1x!tpu.dma_semaphore, #tpu.memory_space<semaphore_mem>>
    %dma_start3A_750 = tpu.memref_squeeze %dma_start3A_749 : memref<1x!tpu.dma_semaphore, #tpu.memory_space<semaphore_mem>> -> memref<!tpu.dma_semaphore, #tpu.memory_space<semaphore_mem>>
    %dma_start3A_751 = arith.constant 0 : i32
    %dma_start3A_752 = arith.constant 0 : i32
    %dma_start3A_753 = tpu.memref_slice %arg10[%dma_start3A_747, %dma_start3A_751, %dma_start3A_752] : memref<6x1024x128xf32, #tpu.memory_space<vmem>> -> memref<1x1024x128xf32, #tpu.memory_space<vmem>>
    %dma_start3A_754 = tpu.memref_squeeze %dma_start3A_753 : memref<1x1024x128xf32, #tpu.memory_space<vmem>> -> memref<1024x128xf32, #tpu.memory_space<vmem>>
    %dma_start3A_755 = arith.constant 15360 : i32
    %dma_start3A_756 = arith.constant 0 : i32
    %dma_start3A_757 = tpu.memref_slice %arg0[%dma_start3A_755, %dma_start3A_756] : memref<16384x128xf32, #tpu.memory_space<any>> -> memref<1024x128xf32, #tpu.memory_space<any>>
    tpu.enqueue_dma source(%dma_start3A_757 : memref<1024x128xf32, #tpu.memory_space<any>>) target(%dma_start3A_754 : memref<1024x128xf32, #tpu.memory_space<vmem>>) target_semaphore(%dma_start3A_750 : memref<!tpu.dma_semaphore, #tpu.memory_space<semaphore_mem>>)
    %dma_wait3A_758 = arith.constant 4 : i32
    %dma_wait3A_759 = arith.constant 4 : i32
    %dma_wait3A_760 = tpu.memref_slice %arg12[%dma_wait3A_759] : memref<6x!tpu.dma_semaphore, #tpu.memory_space<semaphore_mem>> -> memref<1x!tpu.dma_semaphore, #tpu.memory_space<semaphore_mem>>
    %dma_wait3A_761 = tpu.memref_squeeze %dma_wait3A_760 : memref<1x!tpu.dma_semaphore, #tpu.memory_space<semaphore_mem>> -> memref<!tpu.dma_semaphore, #tpu.memory_space<semaphore_mem>>
    %dma_wait3A_762 = arith.constant 0 : i32
    %dma_wait3A_763 = arith.constant 0 : i32
    %dma_wait3A_764 = tpu.memref_slice %arg10[%dma_wait3A_758, %dma_wait3A_762, %dma_wait3A_763] : memref<6x1024x128xf32, #tpu.memory_space<vmem>> -> memref<1x1024x128xf32, #tpu.memory_space<vmem>>
    %dma_wait3A_765 = tpu.memref_squeeze %dma_wait3A_764 : memref<1x1024x128xf32, #tpu.memory_space<vmem>> -> memref<1024x128xf32, #tpu.memory_space<vmem>>
    %dma_wait3A_766 = arith.constant 10240 : i32
    %dma_wait3A_767 = arith.constant 0 : i32
    %dma_wait3A_768 = tpu.memref_slice %arg0[%dma_wait3A_766, %dma_wait3A_767] : memref<16384x128xf32, #tpu.memory_space<any>> -> memref<1024x128xf32, #tpu.memory_space<any>>
    tpu.wait_dma2 semaphore(%dma_wait3A_761 : memref<!tpu.dma_semaphore, #tpu.memory_space<semaphore_mem>>) src(%dma_wait3A_768 : memref<1024x128xf32, #tpu.memory_space<any>>) dst(%dma_wait3A_765 : memref<1024x128xf32, #tpu.memory_space<vmem>>)
    %get3A_769 = arith.constant 10240 : index
    %get3A_770 = vector.load %arg1[%get3A_769] : memref<16384xi32, #tpu.memory_space<vmem>>, vector<1024xi32>
    %reshape3A_771 = vector.shape_cast %get3A_770 : vector<1024xi32> to vector<1x1024xi32>
    %iota3A_772 = tpu.iota {dimensions = array<i32: 0>} : vector<100x1024xi32>
    %eq3A_773 = vector.broadcast %reshape3A_771 : vector<1x1024xi32> to vector<100x1024xi32>
    %eq3A_774 = arith.cmpi eq, %eq3A_773, %iota3A_772 : vector<100x1024xi32>
    %convert_element_type3A_775 = arith.extui %eq3A_774 : vector<100x1024xi1> to vector<100x1024xi32>
    %convert_element_type3A_776 = arith.sitofp %convert_element_type3A_775 : vector<100x1024xi32> to vector<100x1024xf32>
    %convert_element_type3A_777 = arith.truncf %convert_element_type3A_776 : vector<100x1024xf32> to vector<100x1024xbf16>
    %get3A_778 = arith.constant 4 : index
    %get3A_779 = arith.constant 0 : index
    %get3A_780 = arith.constant 0 : index
    %get3A_781 = vector.load %arg10[%get3A_778, %get3A_779, %get3A_780] : memref<6x1024x128xf32, #tpu.memory_space<vmem>>, vector<1x1024x128xf32>
    %get3A_782 = vector.shape_cast %get3A_781 : vector<1x1024x128xf32> to vector<1024x128xf32>
    %convert_element_type3A_783 = arith.truncf %get3A_782 : vector<1024x128xf32> to vector<1024x128xbf16>
    %convert_element_type3A_784 = arith.truncf %slice3A : vector<128x128xf32> to vector<128x128xbf16>
    %dot_general3A_785 = arith.constant dense<0.000000e+00> : vector<1024x128xf32>
    %dot_general3A_786 = tpu.matmul %convert_element_type3A_783, %convert_element_type3A_784, %dot_general3A_785 {dimension_numbers = #tpu.dot_dimension_numbers<[1], [1], [0], [0], [0, 0, 1, 0], [], []>, transpose_lhs_hint = false} : vector<1024x128xbf16>, vector<128x128xbf16>, vector<1024x128xf32> -> vector<1024x128xf32>
    %convert_element_type3A_787 = arith.truncf %dot_general3A_23 : vector<100x128xf32> to vector<100x128xbf16>
    %dot_general3A_788 = arith.constant dense<0.000000e+00> : vector<1024x128xf32>
    %dot_general3A_789 = tpu.matmul %convert_element_type3A_777, %convert_element_type3A_787, %dot_general3A_788 {dimension_numbers = #tpu.dot_dimension_numbers<[0], [0], [1], [1], [0, 1, 1, 1], [], []>, transpose_lhs_hint = false} : vector<100x1024xbf16>, vector<100x128xbf16>, vector<1024x128xf32> -> vector<1024x128xf32>
    %add3A_790 = arith.addf %dot_general3A_786, %dot_general3A_789 : vector<1024x128xf32>
    %dma_wait3A_791 = arith.constant 4 : i32
    %dma_wait3A_792 = arith.constant 4 : i32
    %dma_wait3A_793 = tpu.memref_slice %arg13[%dma_wait3A_792] : memref<6x!tpu.dma_semaphore, #tpu.memory_space<semaphore_mem>> -> memref<1x!tpu.dma_semaphore, #tpu.memory_space<semaphore_mem>>
    %dma_wait3A_794 = tpu.memref_squeeze %dma_wait3A_793 : memref<1x!tpu.dma_semaphore, #tpu.memory_space<semaphore_mem>> -> memref<!tpu.dma_semaphore, #tpu.memory_space<semaphore_mem>>
    %dma_wait3A_795 = arith.constant 4096 : i32
    %dma_wait3A_796 = arith.constant 0 : i32
    %dma_wait3A_797 = tpu.memref_slice %arg9[%dma_wait3A_795, %dma_wait3A_796] : memref<16384x128xf32, #tpu.memory_space<any>> -> memref<1024x128xf32, #tpu.memory_space<any>>
    %dma_wait3A_798 = arith.constant 0 : i32
    %dma_wait3A_799 = arith.constant 0 : i32
    %dma_wait3A_800 = tpu.memref_slice %arg11[%dma_wait3A_791, %dma_wait3A_798, %dma_wait3A_799] : memref<6x1024x128xf32, #tpu.memory_space<vmem>> -> memref<1x1024x128xf32, #tpu.memory_space<vmem>>
    %dma_wait3A_801 = tpu.memref_squeeze %dma_wait3A_800 : memref<1x1024x128xf32, #tpu.memory_space<vmem>> -> memref<1024x128xf32, #tpu.memory_space<vmem>>
    tpu.wait_dma2 semaphore(%dma_wait3A_794 : memref<!tpu.dma_semaphore, #tpu.memory_space<semaphore_mem>>) src(%dma_wait3A_801 : memref<1024x128xf32, #tpu.memory_space<vmem>>) dst(%dma_wait3A_797 : memref<1024x128xf32, #tpu.memory_space<any>>)
    %add3A_802 = vector.broadcast %add3A : vector<1x128xf32> to vector<1024x128xf32>
    %add3A_803 = arith.addf %add3A_790, %add3A_802 : vector<1024x128xf32>
    %swap3A_804 = arith.constant 4 : index
    %swap3A_805 = arith.constant 0 : index
    %swap3A_806 = arith.constant 0 : index
    %swap3A_807 = vector.load %arg11[%swap3A_804, %swap3A_805, %swap3A_806] : memref<6x1024x128xf32, #tpu.memory_space<vmem>>, vector<1x1024x128xf32>
    %swap3A_808 = vector.shape_cast %swap3A_807 : vector<1x1024x128xf32> to vector<1024x128xf32>
    %swap3A_809 = vector.shape_cast %add3A_803 : vector<1024x128xf32> to vector<1x1024x128xf32>
    tpu.vector_store %arg11[%swap3A_804, %swap3A_805, %swap3A_806], %swap3A_809 {strides = array<i32>} : memref<6x1024x128xf32, #tpu.memory_space<vmem>>, vector<1x1024x128xf32>,
    %dma_start3A_810 = arith.constant 4 : i32
    %dma_start3A_811 = arith.constant 4 : i32
    %dma_start3A_812 = tpu.memref_slice %arg13[%dma_start3A_811] : memref<6x!tpu.dma_semaphore, #tpu.memory_space<semaphore_mem>> -> memref<1x!tpu.dma_semaphore, #tpu.memory_space<semaphore_mem>>
    %dma_start3A_813 = tpu.memref_squeeze %dma_start3A_812 : memref<1x!tpu.dma_semaphore, #tpu.memory_space<semaphore_mem>> -> memref<!tpu.dma_semaphore, #tpu.memory_space<semaphore_mem>>
    %dma_start3A_814 = arith.constant 10240 : i32
    %dma_start3A_815 = arith.constant 0 : i32
    %dma_start3A_816 = tpu.memref_slice %arg9[%dma_start3A_814, %dma_start3A_815] : memref<16384x128xf32, #tpu.memory_space<any>> -> memref<1024x128xf32, #tpu.memory_space<any>>
    %dma_start3A_817 = arith.constant 0 : i32
    %dma_start3A_818 = arith.constant 0 : i32
    %dma_start3A_819 = tpu.memref_slice %arg11[%dma_start3A_810, %dma_start3A_817, %dma_start3A_818] : memref<6x1024x128xf32, #tpu.memory_space<vmem>> -> memref<1x1024x128xf32, #tpu.memory_space<vmem>>
    %dma_start3A_820 = tpu.memref_squeeze %dma_start3A_819 : memref<1x1024x128xf32, #tpu.memory_space<vmem>> -> memref<1024x128xf32, #tpu.memory_space<vmem>>
    tpu.enqueue_dma source(%dma_start3A_820 : memref<1024x128xf32, #tpu.memory_space<vmem>>) target(%dma_start3A_816 : memref<1024x128xf32, #tpu.memory_space<any>>) target_semaphore(%dma_start3A_813 : memref<!tpu.dma_semaphore, #tpu.memory_space<semaphore_mem>>)
    %dma_wait3A_821 = arith.constant 5 : i32
    %dma_wait3A_822 = arith.constant 5 : i32
    %dma_wait3A_823 = tpu.memref_slice %arg12[%dma_wait3A_822] : memref<6x!tpu.dma_semaphore, #tpu.memory_space<semaphore_mem>> -> memref<1x!tpu.dma_semaphore, #tpu.memory_space<semaphore_mem>>
    %dma_wait3A_824 = tpu.memref_squeeze %dma_wait3A_823 : memref<1x!tpu.dma_semaphore, #tpu.memory_space<semaphore_mem>> -> memref<!tpu.dma_semaphore, #tpu.memory_space<semaphore_mem>>
    %dma_wait3A_825 = arith.constant 0 : i32
    %dma_wait3A_826 = arith.constant 0 : i32
    %dma_wait3A_827 = tpu.memref_slice %arg10[%dma_wait3A_821, %dma_wait3A_825, %dma_wait3A_826] : memref<6x1024x128xf32, #tpu.memory_space<vmem>> -> memref<1x1024x128xf32, #tpu.memory_space<vmem>>
    %dma_wait3A_828 = tpu.memref_squeeze %dma_wait3A_827 : memref<1x1024x128xf32, #tpu.memory_space<vmem>> -> memref<1024x128xf32, #tpu.memory_space<vmem>>
    %dma_wait3A_829 = arith.constant 11264 : i32
    %dma_wait3A_830 = arith.constant 0 : i32
    %dma_wait3A_831 = tpu.memref_slice %arg0[%dma_wait3A_829, %dma_wait3A_830] : memref<16384x128xf32, #tpu.memory_space<any>> -> memref<1024x128xf32, #tpu.memory_space<any>>
    tpu.wait_dma2 semaphore(%dma_wait3A_824 : memref<!tpu.dma_semaphore, #tpu.memory_space<semaphore_mem>>) src(%dma_wait3A_831 : memref<1024x128xf32, #tpu.memory_space<any>>) dst(%dma_wait3A_828 : memref<1024x128xf32, #tpu.memory_space<vmem>>)
    %get3A_832 = arith.constant 11264 : index
    %get3A_833 = vector.load %arg1[%get3A_832] : memref<16384xi32, #tpu.memory_space<vmem>>, vector<1024xi32>
    %reshape3A_834 = vector.shape_cast %get3A_833 : vector<1024xi32> to vector<1x1024xi32>
    %iota3A_835 = tpu.iota {dimensions = array<i32: 0>} : vector<100x1024xi32>
    %eq3A_836 = vector.broadcast %reshape3A_834 : vector<1x1024xi32> to vector<100x1024xi32>
    %eq3A_837 = arith.cmpi eq, %eq3A_836, %iota3A_835 : vector<100x1024xi32>
    %convert_element_type3A_838 = arith.extui %eq3A_837 : vector<100x1024xi1> to vector<100x1024xi32>
    %convert_element_type3A_839 = arith.sitofp %convert_element_type3A_838 : vector<100x1024xi32> to vector<100x1024xf32>
    %convert_element_type3A_840 = arith.truncf %convert_element_type3A_839 : vector<100x1024xf32> to vector<100x1024xbf16>
    %get3A_841 = arith.constant 5 : index
    %get3A_842 = arith.constant 0 : index
    %get3A_843 = arith.constant 0 : index
    %get3A_844 = vector.load %arg10[%get3A_841, %get3A_842, %get3A_843] : memref<6x1024x128xf32, #tpu.memory_space<vmem>>, vector<1x1024x128xf32>
    %get3A_845 = vector.shape_cast %get3A_844 : vector<1x1024x128xf32> to vector<1024x128xf32>
    %convert_element_type3A_846 = arith.truncf %get3A_845 : vector<1024x128xf32> to vector<1024x128xbf16>
    %convert_element_type3A_847 = arith.truncf %slice3A : vector<128x128xf32> to vector<128x128xbf16>
    %dot_general3A_848 = arith.constant dense<0.000000e+00> : vector<1024x128xf32>
    %dot_general3A_849 = tpu.matmul %convert_element_type3A_846, %convert_element_type3A_847, %dot_general3A_848 {dimension_numbers = #tpu.dot_dimension_numbers<[1], [1], [0], [0], [0, 0, 1, 0], [], []>, transpose_lhs_hint = false} : vector<1024x128xbf16>, vector<128x128xbf16>, vector<1024x128xf32> -> vector<1024x128xf32>
    %convert_element_type3A_850 = arith.truncf %dot_general3A_23 : vector<100x128xf32> to vector<100x128xbf16>
    %dot_general3A_851 = arith.constant dense<0.000000e+00> : vector<1024x128xf32>
    %dot_general3A_852 = tpu.matmul %convert_element_type3A_840, %convert_element_type3A_850, %dot_general3A_851 {dimension_numbers = #tpu.dot_dimension_numbers<[0], [0], [1], [1], [0, 1, 1, 1], [], []>, transpose_lhs_hint = false} : vector<100x1024xbf16>, vector<100x128xbf16>, vector<1024x128xf32> -> vector<1024x128xf32>
    %add3A_853 = arith.addf %dot_general3A_849, %dot_general3A_852 : vector<1024x128xf32>
    %dma_wait3A_854 = arith.constant 5 : i32
    %dma_wait3A_855 = arith.constant 5 : i32
    %dma_wait3A_856 = tpu.memref_slice %arg13[%dma_wait3A_855] : memref<6x!tpu.dma_semaphore, #tpu.memory_space<semaphore_mem>> -> memref<1x!tpu.dma_semaphore, #tpu.memory_space<semaphore_mem>>
    %dma_wait3A_857 = tpu.memref_squeeze %dma_wait3A_856 : memref<1x!tpu.dma_semaphore, #tpu.memory_space<semaphore_mem>> -> memref<!tpu.dma_semaphore, #tpu.memory_space<semaphore_mem>>
    %dma_wait3A_858 = arith.constant 5120 : i32
    %dma_wait3A_859 = arith.constant 0 : i32
    %dma_wait3A_860 = tpu.memref_slice %arg9[%dma_wait3A_858, %dma_wait3A_859] : memref<16384x128xf32, #tpu.memory_space<any>> -> memref<1024x128xf32, #tpu.memory_space<any>>
    %dma_wait3A_861 = arith.constant 0 : i32
    %dma_wait3A_862 = arith.constant 0 : i32
    %dma_wait3A_863 = tpu.memref_slice %arg11[%dma_wait3A_854, %dma_wait3A_861, %dma_wait3A_862] : memref<6x1024x128xf32, #tpu.memory_space<vmem>> -> memref<1x1024x128xf32, #tpu.memory_space<vmem>>
    %dma_wait3A_864 = tpu.memref_squeeze %dma_wait3A_863 : memref<1x1024x128xf32, #tpu.memory_space<vmem>> -> memref<1024x128xf32, #tpu.memory_space<vmem>>
    tpu.wait_dma2 semaphore(%dma_wait3A_857 : memref<!tpu.dma_semaphore, #tpu.memory_space<semaphore_mem>>) src(%dma_wait3A_864 : memref<1024x128xf32, #tpu.memory_space<vmem>>) dst(%dma_wait3A_860 : memref<1024x128xf32, #tpu.memory_space<any>>)
    %add3A_865 = vector.broadcast %add3A : vector<1x128xf32> to vector<1024x128xf32>
    %add3A_866 = arith.addf %add3A_853, %add3A_865 : vector<1024x128xf32>
    %swap3A_867 = arith.constant 5 : index
    %swap3A_868 = arith.constant 0 : index
    %swap3A_869 = arith.constant 0 : index
    %swap3A_870 = vector.load %arg11[%swap3A_867, %swap3A_868, %swap3A_869] : memref<6x1024x128xf32, #tpu.memory_space<vmem>>, vector<1x1024x128xf32>
    %swap3A_871 = vector.shape_cast %swap3A_870 : vector<1x1024x128xf32> to vector<1024x128xf32>
    %swap3A_872 = vector.shape_cast %add3A_866 : vector<1024x128xf32> to vector<1x1024x128xf32>
    tpu.vector_store %arg11[%swap3A_867, %swap3A_868, %swap3A_869], %swap3A_872 {strides = array<i32>} : memref<6x1024x128xf32, #tpu.memory_space<vmem>>, vector<1x1024x128xf32>,
    %dma_start3A_873 = arith.constant 5 : i32
    %dma_start3A_874 = arith.constant 5 : i32
    %dma_start3A_875 = tpu.memref_slice %arg13[%dma_start3A_874] : memref<6x!tpu.dma_semaphore, #tpu.memory_space<semaphore_mem>> -> memref<1x!tpu.dma_semaphore, #tpu.memory_space<semaphore_mem>>
    %dma_start3A_876 = tpu.memref_squeeze %dma_start3A_875 : memref<1x!tpu.dma_semaphore, #tpu.memory_space<semaphore_mem>> -> memref<!tpu.dma_semaphore, #tpu.memory_space<semaphore_mem>>
    %dma_start3A_877 = arith.constant 11264 : i32
    %dma_start3A_878 = arith.constant 0 : i32
    %dma_start3A_879 = tpu.memref_slice %arg9[%dma_start3A_877, %dma_start3A_878] : memref<16384x128xf32, #tpu.memory_space<any>> -> memref<1024x128xf32, #tpu.memory_space<any>>
    %dma_start3A_880 = arith.constant 0 : i32
    %dma_start3A_881 = arith.constant 0 : i32
    %dma_start3A_882 = tpu.memref_slice %arg11[%dma_start3A_873, %dma_start3A_880, %dma_start3A_881] : memref<6x1024x128xf32, #tpu.memory_space<vmem>> -> memref<1x1024x128xf32, #tpu.memory_space<vmem>>
    %dma_start3A_883 = tpu.memref_squeeze %dma_start3A_882 : memref<1x1024x128xf32, #tpu.memory_space<vmem>> -> memref<1024x128xf32, #tpu.memory_space<vmem>>
    tpu.enqueue_dma source(%dma_start3A_883 : memref<1024x128xf32, #tpu.memory_space<vmem>>) target(%dma_start3A_879 : memref<1024x128xf32, #tpu.memory_space<any>>) target_semaphore(%dma_start3A_876 : memref<!tpu.dma_semaphore, #tpu.memory_space<semaphore_mem>>)
    %dma_wait3A_884 = arith.constant 0 : i32
    %dma_wait3A_885 = arith.constant 0 : i32
    %dma_wait3A_886 = tpu.memref_slice %arg12[%dma_wait3A_885] : memref<6x!tpu.dma_semaphore, #tpu.memory_space<semaphore_mem>> -> memref<1x!tpu.dma_semaphore, #tpu.memory_space<semaphore_mem>>
    %dma_wait3A_887 = tpu.memref_squeeze %dma_wait3A_886 : memref<1x!tpu.dma_semaphore, #tpu.memory_space<semaphore_mem>> -> memref<!tpu.dma_semaphore, #tpu.memory_space<semaphore_mem>>
    %dma_wait3A_888 = arith.constant 0 : i32
    %dma_wait3A_889 = arith.constant 0 : i32
    %dma_wait3A_890 = tpu.memref_slice %arg10[%dma_wait3A_884, %dma_wait3A_888, %dma_wait3A_889] : memref<6x1024x128xf32, #tpu.memory_space<vmem>> -> memref<1x1024x128xf32, #tpu.memory_space<vmem>>
    %dma_wait3A_891 = tpu.memref_squeeze %dma_wait3A_890 : memref<1x1024x128xf32, #tpu.memory_space<vmem>> -> memref<1024x128xf32, #tpu.memory_space<vmem>>
    %dma_wait3A_892 = arith.constant 12288 : i32
    %dma_wait3A_893 = arith.constant 0 : i32
    %dma_wait3A_894 = tpu.memref_slice %arg0[%dma_wait3A_892, %dma_wait3A_893] : memref<16384x128xf32, #tpu.memory_space<any>> -> memref<1024x128xf32, #tpu.memory_space<any>>
    tpu.wait_dma2 semaphore(%dma_wait3A_887 : memref<!tpu.dma_semaphore, #tpu.memory_space<semaphore_mem>>) src(%dma_wait3A_894 : memref<1024x128xf32, #tpu.memory_space<any>>) dst(%dma_wait3A_891 : memref<1024x128xf32, #tpu.memory_space<vmem>>)
    %get3A_895 = arith.constant 12288 : index
    %get3A_896 = vector.load %arg1[%get3A_895] : memref<16384xi32, #tpu.memory_space<vmem>>, vector<1024xi32>
    %reshape3A_897 = vector.shape_cast %get3A_896 : vector<1024xi32> to vector<1x1024xi32>
    %iota3A_898 = tpu.iota {dimensions = array<i32: 0>} : vector<100x1024xi32>
    %eq3A_899 = vector.broadcast %reshape3A_897 : vector<1x1024xi32> to vector<100x1024xi32>
    %eq3A_900 = arith.cmpi eq, %eq3A_899, %iota3A_898 : vector<100x1024xi32>
    %convert_element_type3A_901 = arith.extui %eq3A_900 : vector<100x1024xi1> to vector<100x1024xi32>
    %convert_element_type3A_902 = arith.sitofp %convert_element_type3A_901 : vector<100x1024xi32> to vector<100x1024xf32>
    %convert_element_type3A_903 = arith.truncf %convert_element_type3A_902 : vector<100x1024xf32> to vector<100x1024xbf16>
    %get3A_904 = arith.constant 0 : index
    %get3A_905 = arith.constant 0 : index
    %get3A_906 = arith.constant 0 : index
    %get3A_907 = vector.load %arg10[%get3A_904, %get3A_905, %get3A_906] : memref<6x1024x128xf32, #tpu.memory_space<vmem>>, vector<1x1024x128xf32>
    %get3A_908 = vector.shape_cast %get3A_907 : vector<1x1024x128xf32> to vector<1024x128xf32>
    %convert_element_type3A_909 = arith.truncf %get3A_908 : vector<1024x128xf32> to vector<1024x128xbf16>
    %convert_element_type3A_910 = arith.truncf %slice3A : vector<128x128xf32> to vector<128x128xbf16>
    %dot_general3A_911 = arith.constant dense<0.000000e+00> : vector<1024x128xf32>
    %dot_general3A_912 = tpu.matmul %convert_element_type3A_909, %convert_element_type3A_910, %dot_general3A_911 {dimension_numbers = #tpu.dot_dimension_numbers<[1], [1], [0], [0], [0, 0, 1, 0], [], []>, transpose_lhs_hint = false} : vector<1024x128xbf16>, vector<128x128xbf16>, vector<1024x128xf32> -> vector<1024x128xf32>
    %convert_element_type3A_913 = arith.truncf %dot_general3A_23 : vector<100x128xf32> to vector<100x128xbf16>
    %dot_general3A_914 = arith.constant dense<0.000000e+00> : vector<1024x128xf32>
    %dot_general3A_915 = tpu.matmul %convert_element_type3A_903, %convert_element_type3A_913, %dot_general3A_914 {dimension_numbers = #tpu.dot_dimension_numbers<[0], [0], [1], [1], [0, 1, 1, 1], [], []>, transpose_lhs_hint = false} : vector<100x1024xbf16>, vector<100x128xbf16>, vector<1024x128xf32> -> vector<1024x128xf32>
    %add3A_916 = arith.addf %dot_general3A_912, %dot_general3A_915 : vector<1024x128xf32>
    %dma_wait3A_917 = arith.constant 0 : i32
    %dma_wait3A_918 = arith.constant 0 : i32
    %dma_wait3A_919 = tpu.memref_slice %arg13[%dma_wait3A_918] : memref<6x!tpu.dma_semaphore, #tpu.memory_space<semaphore_mem>> -> memref<1x!tpu.dma_semaphore, #tpu.memory_space<semaphore_mem>>
    %dma_wait3A_920 = tpu.memref_squeeze %dma_wait3A_919 : memref<1x!tpu.dma_semaphore, #tpu.memory_space<semaphore_mem>> -> memref<!tpu.dma_semaphore, #tpu.memory_space<semaphore_mem>>
    %dma_wait3A_921 = arith.constant 6144 : i32
    %dma_wait3A_922 = arith.constant 0 : i32
    %dma_wait3A_923 = tpu.memref_slice %arg9[%dma_wait3A_921, %dma_wait3A_922] : memref<16384x128xf32, #tpu.memory_space<any>> -> memref<1024x128xf32, #tpu.memory_space<any>>
    %dma_wait3A_924 = arith.constant 0 : i32
    %dma_wait3A_925 = arith.constant 0 : i32
    %dma_wait3A_926 = tpu.memref_slice %arg11[%dma_wait3A_917, %dma_wait3A_924, %dma_wait3A_925] : memref<6x1024x128xf32, #tpu.memory_space<vmem>> -> memref<1x1024x128xf32, #tpu.memory_space<vmem>>
    %dma_wait3A_927 = tpu.memref_squeeze %dma_wait3A_926 : memref<1x1024x128xf32, #tpu.memory_space<vmem>> -> memref<1024x128xf32, #tpu.memory_space<vmem>>
    tpu.wait_dma2 semaphore(%dma_wait3A_920 : memref<!tpu.dma_semaphore, #tpu.memory_space<semaphore_mem>>) src(%dma_wait3A_927 : memref<1024x128xf32, #tpu.memory_space<vmem>>) dst(%dma_wait3A_923 : memref<1024x128xf32, #tpu.memory_space<any>>)
    %add3A_928 = vector.broadcast %add3A : vector<1x128xf32> to vector<1024x128xf32>
    %add3A_929 = arith.addf %add3A_916, %add3A_928 : vector<1024x128xf32>
    %swap3A_930 = arith.constant 0 : index
    %swap3A_931 = arith.constant 0 : index
    %swap3A_932 = arith.constant 0 : index
    %swap3A_933 = vector.load %arg11[%swap3A_930, %swap3A_931, %swap3A_932] : memref<6x1024x128xf32, #tpu.memory_space<vmem>>, vector<1x1024x128xf32>
    %swap3A_934 = vector.shape_cast %swap3A_933 : vector<1x1024x128xf32> to vector<1024x128xf32>
    %swap3A_935 = vector.shape_cast %add3A_929 : vector<1024x128xf32> to vector<1x1024x128xf32>
    tpu.vector_store %arg11[%swap3A_930, %swap3A_931, %swap3A_932], %swap3A_935 {strides = array<i32>} : memref<6x1024x128xf32, #tpu.memory_space<vmem>>, vector<1x1024x128xf32>,
    %dma_start3A_936 = arith.constant 0 : i32
    %dma_start3A_937 = arith.constant 0 : i32
    %dma_start3A_938 = tpu.memref_slice %arg13[%dma_start3A_937] : memref<6x!tpu.dma_semaphore, #tpu.memory_space<semaphore_mem>> -> memref<1x!tpu.dma_semaphore, #tpu.memory_space<semaphore_mem>>
    %dma_start3A_939 = tpu.memref_squeeze %dma_start3A_938 : memref<1x!tpu.dma_semaphore, #tpu.memory_space<semaphore_mem>> -> memref<!tpu.dma_semaphore, #tpu.memory_space<semaphore_mem>>
    %dma_start3A_940 = arith.constant 12288 : i32
    %dma_start3A_941 = arith.constant 0 : i32
    %dma_start3A_942 = tpu.memref_slice %arg9[%dma_start3A_940, %dma_start3A_941] : memref<16384x128xf32, #tpu.memory_space<any>> -> memref<1024x128xf32, #tpu.memory_space<any>>
    %dma_start3A_943 = arith.constant 0 : i32
    %dma_start3A_944 = arith.constant 0 : i32
    %dma_start3A_945 = tpu.memref_slice %arg11[%dma_start3A_936, %dma_start3A_943, %dma_start3A_944] : memref<6x1024x128xf32, #tpu.memory_space<vmem>> -> memref<1x1024x128xf32, #tpu.memory_space<vmem>>
    %dma_start3A_946 = tpu.memref_squeeze %dma_start3A_945 : memref<1x1024x128xf32, #tpu.memory_space<vmem>> -> memref<1024x128xf32, #tpu.memory_space<vmem>>
    tpu.enqueue_dma source(%dma_start3A_946 : memref<1024x128xf32, #tpu.memory_space<vmem>>) target(%dma_start3A_942 : memref<1024x128xf32, #tpu.memory_space<any>>) target_semaphore(%dma_start3A_939 : memref<!tpu.dma_semaphore, #tpu.memory_space<semaphore_mem>>)
    %dma_wait3A_947 = arith.constant 1 : i32
    %dma_wait3A_948 = arith.constant 1 : i32
    %dma_wait3A_949 = tpu.memref_slice %arg12[%dma_wait3A_948] : memref<6x!tpu.dma_semaphore, #tpu.memory_space<semaphore_mem>> -> memref<1x!tpu.dma_semaphore, #tpu.memory_space<semaphore_mem>>
    %dma_wait3A_950 = tpu.memref_squeeze %dma_wait3A_949 : memref<1x!tpu.dma_semaphore, #tpu.memory_space<semaphore_mem>> -> memref<!tpu.dma_semaphore, #tpu.memory_space<semaphore_mem>>
    %dma_wait3A_951 = arith.constant 0 : i32
    %dma_wait3A_952 = arith.constant 0 : i32
    %dma_wait3A_953 = tpu.memref_slice %arg10[%dma_wait3A_947, %dma_wait3A_951, %dma_wait3A_952] : memref<6x1024x128xf32, #tpu.memory_space<vmem>> -> memref<1x1024x128xf32, #tpu.memory_space<vmem>>
    %dma_wait3A_954 = tpu.memref_squeeze %dma_wait3A_953 : memref<1x1024x128xf32, #tpu.memory_space<vmem>> -> memref<1024x128xf32, #tpu.memory_space<vmem>>
    %dma_wait3A_955 = arith.constant 13312 : i32
    %dma_wait3A_956 = arith.constant 0 : i32
    %dma_wait3A_957 = tpu.memref_slice %arg0[%dma_wait3A_955, %dma_wait3A_956] : memref<16384x128xf32, #tpu.memory_space<any>> -> memref<1024x128xf32, #tpu.memory_space<any>>
    tpu.wait_dma2 semaphore(%dma_wait3A_950 : memref<!tpu.dma_semaphore, #tpu.memory_space<semaphore_mem>>) src(%dma_wait3A_957 : memref<1024x128xf32, #tpu.memory_space<any>>) dst(%dma_wait3A_954 : memref<1024x128xf32, #tpu.memory_space<vmem>>)
    %get3A_958 = arith.constant 13312 : index
    %get3A_959 = vector.load %arg1[%get3A_958] : memref<16384xi32, #tpu.memory_space<vmem>>, vector<1024xi32>
    %reshape3A_960 = vector.shape_cast %get3A_959 : vector<1024xi32> to vector<1x1024xi32>
    %iota3A_961 = tpu.iota {dimensions = array<i32: 0>} : vector<100x1024xi32>
    %eq3A_962 = vector.broadcast %reshape3A_960 : vector<1x1024xi32> to vector<100x1024xi32>
    %eq3A_963 = arith.cmpi eq, %eq3A_962, %iota3A_961 : vector<100x1024xi32>
    %convert_element_type3A_964 = arith.extui %eq3A_963 : vector<100x1024xi1> to vector<100x1024xi32>
    %convert_element_type3A_965 = arith.sitofp %convert_element_type3A_964 : vector<100x1024xi32> to vector<100x1024xf32>
    %convert_element_type3A_966 = arith.truncf %convert_element_type3A_965 : vector<100x1024xf32> to vector<100x1024xbf16>
    %get3A_967 = arith.constant 1 : index
    %get3A_968 = arith.constant 0 : index
    %get3A_969 = arith.constant 0 : index
    %get3A_970 = vector.load %arg10[%get3A_967, %get3A_968, %get3A_969] : memref<6x1024x128xf32, #tpu.memory_space<vmem>>, vector<1x1024x128xf32>
    %get3A_971 = vector.shape_cast %get3A_970 : vector<1x1024x128xf32> to vector<1024x128xf32>
    %convert_element_type3A_972 = arith.truncf %get3A_971 : vector<1024x128xf32> to vector<1024x128xbf16>
    %convert_element_type3A_973 = arith.truncf %slice3A : vector<128x128xf32> to vector<128x128xbf16>
    %dot_general3A_974 = arith.constant dense<0.000000e+00> : vector<1024x128xf32>
    %dot_general3A_975 = tpu.matmul %convert_element_type3A_972, %convert_element_type3A_973, %dot_general3A_974 {dimension_numbers = #tpu.dot_dimension_numbers<[1], [1], [0], [0], [0, 0, 1, 0], [], []>, transpose_lhs_hint = false} : vector<1024x128xbf16>, vector<128x128xbf16>, vector<1024x128xf32> -> vector<1024x128xf32>
    %convert_element_type3A_976 = arith.truncf %dot_general3A_23 : vector<100x128xf32> to vector<100x128xbf16>
    %dot_general3A_977 = arith.constant dense<0.000000e+00> : vector<1024x128xf32>
    %dot_general3A_978 = tpu.matmul %convert_element_type3A_966, %convert_element_type3A_976, %dot_general3A_977 {dimension_numbers = #tpu.dot_dimension_numbers<[0], [0], [1], [1], [0, 1, 1, 1], [], []>, transpose_lhs_hint = false} : vector<100x1024xbf16>, vector<100x128xbf16>, vector<1024x128xf32> -> vector<1024x128xf32>
    %add3A_979 = arith.addf %dot_general3A_975, %dot_general3A_978 : vector<1024x128xf32>
    %dma_wait3A_980 = arith.constant 1 : i32
    %dma_wait3A_981 = arith.constant 1 : i32
    %dma_wait3A_982 = tpu.memref_slice %arg13[%dma_wait3A_981] : memref<6x!tpu.dma_semaphore, #tpu.memory_space<semaphore_mem>> -> memref<1x!tpu.dma_semaphore, #tpu.memory_space<semaphore_mem>>
    %dma_wait3A_983 = tpu.memref_squeeze %dma_wait3A_982 : memref<1x!tpu.dma_semaphore, #tpu.memory_space<semaphore_mem>> -> memref<!tpu.dma_semaphore, #tpu.memory_space<semaphore_mem>>
    %dma_wait3A_984 = arith.constant 7168 : i32
    %dma_wait3A_985 = arith.constant 0 : i32
    %dma_wait3A_986 = tpu.memref_slice %arg9[%dma_wait3A_984, %dma_wait3A_985] : memref<16384x128xf32, #tpu.memory_space<any>> -> memref<1024x128xf32, #tpu.memory_space<any>>
    %dma_wait3A_987 = arith.constant 0 : i32
    %dma_wait3A_988 = arith.constant 0 : i32
    %dma_wait3A_989 = tpu.memref_slice %arg11[%dma_wait3A_980, %dma_wait3A_987, %dma_wait3A_988] : memref<6x1024x128xf32, #tpu.memory_space<vmem>> -> memref<1x1024x128xf32, #tpu.memory_space<vmem>>
    %dma_wait3A_990 = tpu.memref_squeeze %dma_wait3A_989 : memref<1x1024x128xf32, #tpu.memory_space<vmem>> -> memref<1024x128xf32, #tpu.memory_space<vmem>>
    tpu.wait_dma2 semaphore(%dma_wait3A_983 : memref<!tpu.dma_semaphore, #tpu.memory_space<semaphore_mem>>) src(%dma_wait3A_990 : memref<1024x128xf32, #tpu.memory_space<vmem>>) dst(%dma_wait3A_986 : memref<1024x128xf32, #tpu.memory_space<any>>)
    %add3A_991 = vector.broadcast %add3A : vector<1x128xf32> to vector<1024x128xf32>
    %add3A_992 = arith.addf %add3A_979, %add3A_991 : vector<1024x128xf32>
    %swap3A_993 = arith.constant 1 : index
    %swap3A_994 = arith.constant 0 : index
    %swap3A_995 = arith.constant 0 : index
    %swap3A_996 = vector.load %arg11[%swap3A_993, %swap3A_994, %swap3A_995] : memref<6x1024x128xf32, #tpu.memory_space<vmem>>, vector<1x1024x128xf32>
    %swap3A_997 = vector.shape_cast %swap3A_996 : vector<1x1024x128xf32> to vector<1024x128xf32>
    %swap3A_998 = vector.shape_cast %add3A_992 : vector<1024x128xf32> to vector<1x1024x128xf32>
    tpu.vector_store %arg11[%swap3A_993, %swap3A_994, %swap3A_995], %swap3A_998 {strides = array<i32>} : memref<6x1024x128xf32, #tpu.memory_space<vmem>>, vector<1x1024x128xf32>,
    %dma_start3A_999 = arith.constant 1 : i32
    %dma_start3A_1000 = arith.constant 1 : i32
    %dma_start3A_1001 = tpu.memref_slice %arg13[%dma_start3A_1000] : memref<6x!tpu.dma_semaphore, #tpu.memory_space<semaphore_mem>> -> memref<1x!tpu.dma_semaphore, #tpu.memory_space<semaphore_mem>>
    %dma_start3A_1002 = tpu.memref_squeeze %dma_start3A_1001 : memref<1x!tpu.dma_semaphore, #tpu.memory_space<semaphore_mem>> -> memref<!tpu.dma_semaphore, #tpu.memory_space<semaphore_mem>>
    %dma_start3A_1003 = arith.constant 13312 : i32
    %dma_start3A_1004 = arith.constant 0 : i32
    %dma_start3A_1005 = tpu.memref_slice %arg9[%dma_start3A_1003, %dma_start3A_1004] : memref<16384x128xf32, #tpu.memory_space<any>> -> memref<1024x128xf32, #tpu.memory_space<any>>
    %dma_start3A_1006 = arith.constant 0 : i32
    %dma_start3A_1007 = arith.constant 0 : i32
    %dma_start3A_1008 = tpu.memref_slice %arg11[%dma_start3A_999, %dma_start3A_1006, %dma_start3A_1007] : memref<6x1024x128xf32, #tpu.memory_space<vmem>> -> memref<1x1024x128xf32, #tpu.memory_space<vmem>>
    %dma_start3A_1009 = tpu.memref_squeeze %dma_start3A_1008 : memref<1x1024x128xf32, #tpu.memory_space<vmem>> -> memref<1024x128xf32, #tpu.memory_space<vmem>>
    tpu.enqueue_dma source(%dma_start3A_1009 : memref<1024x128xf32, #tpu.memory_space<vmem>>) target(%dma_start3A_1005 : memref<1024x128xf32, #tpu.memory_space<any>>) target_semaphore(%dma_start3A_1002 : memref<!tpu.dma_semaphore, #tpu.memory_space<semaphore_mem>>)
    %dma_wait3A_1010 = arith.constant 2 : i32
    %dma_wait3A_1011 = arith.constant 2 : i32
    %dma_wait3A_1012 = tpu.memref_slice %arg12[%dma_wait3A_1011] : memref<6x!tpu.dma_semaphore, #tpu.memory_space<semaphore_mem>> -> memref<1x!tpu.dma_semaphore, #tpu.memory_space<semaphore_mem>>
    %dma_wait3A_1013 = tpu.memref_squeeze %dma_wait3A_1012 : memref<1x!tpu.dma_semaphore, #tpu.memory_space<semaphore_mem>> -> memref<!tpu.dma_semaphore, #tpu.memory_space<semaphore_mem>>
    %dma_wait3A_1014 = arith.constant 0 : i32
    %dma_wait3A_1015 = arith.constant 0 : i32
    %dma_wait3A_1016 = tpu.memref_slice %arg10[%dma_wait3A_1010, %dma_wait3A_1014, %dma_wait3A_1015] : memref<6x1024x128xf32, #tpu.memory_space<vmem>> -> memref<1x1024x128xf32, #tpu.memory_space<vmem>>
    %dma_wait3A_1017 = tpu.memref_squeeze %dma_wait3A_1016 : memref<1x1024x128xf32, #tpu.memory_space<vmem>> -> memref<1024x128xf32, #tpu.memory_space<vmem>>
    %dma_wait3A_1018 = arith.constant 14336 : i32
    %dma_wait3A_1019 = arith.constant 0 : i32
    %dma_wait3A_1020 = tpu.memref_slice %arg0[%dma_wait3A_1018, %dma_wait3A_1019] : memref<16384x128xf32, #tpu.memory_space<any>> -> memref<1024x128xf32, #tpu.memory_space<any>>
    tpu.wait_dma2 semaphore(%dma_wait3A_1013 : memref<!tpu.dma_semaphore, #tpu.memory_space<semaphore_mem>>) src(%dma_wait3A_1020 : memref<1024x128xf32, #tpu.memory_space<any>>) dst(%dma_wait3A_1017 : memref<1024x128xf32, #tpu.memory_space<vmem>>)
    %get3A_1021 = arith.constant 14336 : index
    %get3A_1022 = vector.load %arg1[%get3A_1021] : memref<16384xi32, #tpu.memory_space<vmem>>, vector<1024xi32>
    %reshape3A_1023 = vector.shape_cast %get3A_1022 : vector<1024xi32> to vector<1x1024xi32>
    %iota3A_1024 = tpu.iota {dimensions = array<i32: 0>} : vector<100x1024xi32>
    %eq3A_1025 = vector.broadcast %reshape3A_1023 : vector<1x1024xi32> to vector<100x1024xi32>
    %eq3A_1026 = arith.cmpi eq, %eq3A_1025, %iota3A_1024 : vector<100x1024xi32>
    %convert_element_type3A_1027 = arith.extui %eq3A_1026 : vector<100x1024xi1> to vector<100x1024xi32>
    %convert_element_type3A_1028 = arith.sitofp %convert_element_type3A_1027 : vector<100x1024xi32> to vector<100x1024xf32>
    %convert_element_type3A_1029 = arith.truncf %convert_element_type3A_1028 : vector<100x1024xf32> to vector<100x1024xbf16>
    %get3A_1030 = arith.constant 2 : index
    %get3A_1031 = arith.constant 0 : index
    %get3A_1032 = arith.constant 0 : index
    %get3A_1033 = vector.load %arg10[%get3A_1030, %get3A_1031, %get3A_1032] : memref<6x1024x128xf32, #tpu.memory_space<vmem>>, vector<1x1024x128xf32>
    %get3A_1034 = vector.shape_cast %get3A_1033 : vector<1x1024x128xf32> to vector<1024x128xf32>
    %convert_element_type3A_1035 = arith.truncf %get3A_1034 : vector<1024x128xf32> to vector<1024x128xbf16>
    %convert_element_type3A_1036 = arith.truncf %slice3A : vector<128x128xf32> to vector<128x128xbf16>
    %dot_general3A_1037 = arith.constant dense<0.000000e+00> : vector<1024x128xf32>
    %dot_general3A_1038 = tpu.matmul %convert_element_type3A_1035, %convert_element_type3A_1036, %dot_general3A_1037 {dimension_numbers = #tpu.dot_dimension_numbers<[1], [1], [0], [0], [0, 0, 1, 0], [], []>, transpose_lhs_hint = false} : vector<1024x128xbf16>, vector<128x128xbf16>, vector<1024x128xf32> -> vector<1024x128xf32>
    %convert_element_type3A_1039 = arith.truncf %dot_general3A_23 : vector<100x128xf32> to vector<100x128xbf16>
    %dot_general3A_1040 = arith.constant dense<0.000000e+00> : vector<1024x128xf32>
    %dot_general3A_1041 = tpu.matmul %convert_element_type3A_1029, %convert_element_type3A_1039, %dot_general3A_1040 {dimension_numbers = #tpu.dot_dimension_numbers<[0], [0], [1], [1], [0, 1, 1, 1], [], []>, transpose_lhs_hint = false} : vector<100x1024xbf16>, vector<100x128xbf16>, vector<1024x128xf32> -> vector<1024x128xf32>
    %add3A_1042 = arith.addf %dot_general3A_1038, %dot_general3A_1041 : vector<1024x128xf32>
    %dma_wait3A_1043 = arith.constant 2 : i32
    %dma_wait3A_1044 = arith.constant 2 : i32
    %dma_wait3A_1045 = tpu.memref_slice %arg13[%dma_wait3A_1044] : memref<6x!tpu.dma_semaphore, #tpu.memory_space<semaphore_mem>> -> memref<1x!tpu.dma_semaphore, #tpu.memory_space<semaphore_mem>>
    %dma_wait3A_1046 = tpu.memref_squeeze %dma_wait3A_1045 : memref<1x!tpu.dma_semaphore, #tpu.memory_space<semaphore_mem>> -> memref<!tpu.dma_semaphore, #tpu.memory_space<semaphore_mem>>
    %dma_wait3A_1047 = arith.constant 8192 : i32
    %dma_wait3A_1048 = arith.constant 0 : i32
    %dma_wait3A_1049 = tpu.memref_slice %arg9[%dma_wait3A_1047, %dma_wait3A_1048] : memref<16384x128xf32, #tpu.memory_space<any>> -> memref<1024x128xf32, #tpu.memory_space<any>>
    %dma_wait3A_1050 = arith.constant 0 : i32
    %dma_wait3A_1051 = arith.constant 0 : i32
    %dma_wait3A_1052 = tpu.memref_slice %arg11[%dma_wait3A_1043, %dma_wait3A_1050, %dma_wait3A_1051] : memref<6x1024x128xf32, #tpu.memory_space<vmem>> -> memref<1x1024x128xf32, #tpu.memory_space<vmem>>
    %dma_wait3A_1053 = tpu.memref_squeeze %dma_wait3A_1052 : memref<1x1024x128xf32, #tpu.memory_space<vmem>> -> memref<1024x128xf32, #tpu.memory_space<vmem>>
    tpu.wait_dma2 semaphore(%dma_wait3A_1046 : memref<!tpu.dma_semaphore, #tpu.memory_space<semaphore_mem>>) src(%dma_wait3A_1053 : memref<1024x128xf32, #tpu.memory_space<vmem>>) dst(%dma_wait3A_1049 : memref<1024x128xf32, #tpu.memory_space<any>>)
    %add3A_1054 = vector.broadcast %add3A : vector<1x128xf32> to vector<1024x128xf32>
    %add3A_1055 = arith.addf %add3A_1042, %add3A_1054 : vector<1024x128xf32>
    %swap3A_1056 = arith.constant 2 : index
    %swap3A_1057 = arith.constant 0 : index
    %swap3A_1058 = arith.constant 0 : index
    %swap3A_1059 = vector.load %arg11[%swap3A_1056, %swap3A_1057, %swap3A_1058] : memref<6x1024x128xf32, #tpu.memory_space<vmem>>, vector<1x1024x128xf32>
    %swap3A_1060 = vector.shape_cast %swap3A_1059 : vector<1x1024x128xf32> to vector<1024x128xf32>
    %swap3A_1061 = vector.shape_cast %add3A_1055 : vector<1024x128xf32> to vector<1x1024x128xf32>
    tpu.vector_store %arg11[%swap3A_1056, %swap3A_1057, %swap3A_1058], %swap3A_1061 {strides = array<i32>} : memref<6x1024x128xf32, #tpu.memory_space<vmem>>, vector<1x1024x128xf32>,
    %dma_start3A_1062 = arith.constant 2 : i32
    %dma_start3A_1063 = arith.constant 2 : i32
    %dma_start3A_1064 = tpu.memref_slice %arg13[%dma_start3A_1063] : memref<6x!tpu.dma_semaphore, #tpu.memory_space<semaphore_mem>> -> memref<1x!tpu.dma_semaphore, #tpu.memory_space<semaphore_mem>>
    %dma_start3A_1065 = tpu.memref_squeeze %dma_start3A_1064 : memref<1x!tpu.dma_semaphore, #tpu.memory_space<semaphore_mem>> -> memref<!tpu.dma_semaphore, #tpu.memory_space<semaphore_mem>>
    %dma_start3A_1066 = arith.constant 14336 : i32
    %dma_start3A_1067 = arith.constant 0 : i32
    %dma_start3A_1068 = tpu.memref_slice %arg9[%dma_start3A_1066, %dma_start3A_1067] : memref<16384x128xf32, #tpu.memory_space<any>> -> memref<1024x128xf32, #tpu.memory_space<any>>
    %dma_start3A_1069 = arith.constant 0 : i32
    %dma_start3A_1070 = arith.constant 0 : i32
    %dma_start3A_1071 = tpu.memref_slice %arg11[%dma_start3A_1062, %dma_start3A_1069, %dma_start3A_1070] : memref<6x1024x128xf32, #tpu.memory_space<vmem>> -> memref<1x1024x128xf32, #tpu.memory_space<vmem>>
    %dma_start3A_1072 = tpu.memref_squeeze %dma_start3A_1071 : memref<1x1024x128xf32, #tpu.memory_space<vmem>> -> memref<1024x128xf32, #tpu.memory_space<vmem>>
    tpu.enqueue_dma source(%dma_start3A_1072 : memref<1024x128xf32, #tpu.memory_space<vmem>>) target(%dma_start3A_1068 : memref<1024x128xf32, #tpu.memory_space<any>>) target_semaphore(%dma_start3A_1065 : memref<!tpu.dma_semaphore, #tpu.memory_space<semaphore_mem>>)
    %dma_wait3A_1073 = arith.constant 3 : i32
    %dma_wait3A_1074 = arith.constant 3 : i32
    %dma_wait3A_1075 = tpu.memref_slice %arg12[%dma_wait3A_1074] : memref<6x!tpu.dma_semaphore, #tpu.memory_space<semaphore_mem>> -> memref<1x!tpu.dma_semaphore, #tpu.memory_space<semaphore_mem>>
    %dma_wait3A_1076 = tpu.memref_squeeze %dma_wait3A_1075 : memref<1x!tpu.dma_semaphore, #tpu.memory_space<semaphore_mem>> -> memref<!tpu.dma_semaphore, #tpu.memory_space<semaphore_mem>>
    %dma_wait3A_1077 = arith.constant 0 : i32
    %dma_wait3A_1078 = arith.constant 0 : i32
    %dma_wait3A_1079 = tpu.memref_slice %arg10[%dma_wait3A_1073, %dma_wait3A_1077, %dma_wait3A_1078] : memref<6x1024x128xf32, #tpu.memory_space<vmem>> -> memref<1x1024x128xf32, #tpu.memory_space<vmem>>
    %dma_wait3A_1080 = tpu.memref_squeeze %dma_wait3A_1079 : memref<1x1024x128xf32, #tpu.memory_space<vmem>> -> memref<1024x128xf32, #tpu.memory_space<vmem>>
    %dma_wait3A_1081 = arith.constant 15360 : i32
    %dma_wait3A_1082 = arith.constant 0 : i32
    %dma_wait3A_1083 = tpu.memref_slice %arg0[%dma_wait3A_1081, %dma_wait3A_1082] : memref<16384x128xf32, #tpu.memory_space<any>> -> memref<1024x128xf32, #tpu.memory_space<any>>
    tpu.wait_dma2 semaphore(%dma_wait3A_1076 : memref<!tpu.dma_semaphore, #tpu.memory_space<semaphore_mem>>) src(%dma_wait3A_1083 : memref<1024x128xf32, #tpu.memory_space<any>>) dst(%dma_wait3A_1080 : memref<1024x128xf32, #tpu.memory_space<vmem>>)
    %get3A_1084 = arith.constant 15360 : index
    %get3A_1085 = vector.load %arg1[%get3A_1084] : memref<16384xi32, #tpu.memory_space<vmem>>, vector<1024xi32>
    %reshape3A_1086 = vector.shape_cast %get3A_1085 : vector<1024xi32> to vector<1x1024xi32>
    %iota3A_1087 = tpu.iota {dimensions = array<i32: 0>} : vector<100x1024xi32>
    %eq3A_1088 = vector.broadcast %reshape3A_1086 : vector<1x1024xi32> to vector<100x1024xi32>
    %eq3A_1089 = arith.cmpi eq, %eq3A_1088, %iota3A_1087 : vector<100x1024xi32>
    %convert_element_type3A_1090 = arith.extui %eq3A_1089 : vector<100x1024xi1> to vector<100x1024xi32>
    %convert_element_type3A_1091 = arith.sitofp %convert_element_type3A_1090 : vector<100x1024xi32> to vector<100x1024xf32>
    %convert_element_type3A_1092 = arith.truncf %convert_element_type3A_1091 : vector<100x1024xf32> to vector<100x1024xbf16>
    %get3A_1093 = arith.constant 3 : index
    %get3A_1094 = arith.constant 0 : index
    %get3A_1095 = arith.constant 0 : index
    %get3A_1096 = vector.load %arg10[%get3A_1093, %get3A_1094, %get3A_1095] : memref<6x1024x128xf32, #tpu.memory_space<vmem>>, vector<1x1024x128xf32>
    %get3A_1097 = vector.shape_cast %get3A_1096 : vector<1x1024x128xf32> to vector<1024x128xf32>
    %convert_element_type3A_1098 = arith.truncf %get3A_1097 : vector<1024x128xf32> to vector<1024x128xbf16>
    %convert_element_type3A_1099 = arith.truncf %slice3A : vector<128x128xf32> to vector<128x128xbf16>
    %dot_general3A_1100 = arith.constant dense<0.000000e+00> : vector<1024x128xf32>
    %dot_general3A_1101 = tpu.matmul %convert_element_type3A_1098, %convert_element_type3A_1099, %dot_general3A_1100 {dimension_numbers = #tpu.dot_dimension_numbers<[1], [1], [0], [0], [0, 0, 1, 0], [], []>, transpose_lhs_hint = false} : vector<1024x128xbf16>, vector<128x128xbf16>, vector<1024x128xf32> -> vector<1024x128xf32>
    %convert_element_type3A_1102 = arith.truncf %dot_general3A_23 : vector<100x128xf32> to vector<100x128xbf16>
    %dot_general3A_1103 = arith.constant dense<0.000000e+00> : vector<1024x128xf32>
    %dot_general3A_1104 = tpu.matmul %convert_element_type3A_1092, %convert_element_type3A_1102, %dot_general3A_1103 {dimension_numbers = #tpu.dot_dimension_numbers<[0], [0], [1], [1], [0, 1, 1, 1], [], []>, transpose_lhs_hint = false} : vector<100x1024xbf16>, vector<100x128xbf16>, vector<1024x128xf32> -> vector<1024x128xf32>
    %add3A_1105 = arith.addf %dot_general3A_1101, %dot_general3A_1104 : vector<1024x128xf32>
    %dma_wait3A_1106 = arith.constant 3 : i32
    %dma_wait3A_1107 = arith.constant 3 : i32
    %dma_wait3A_1108 = tpu.memref_slice %arg13[%dma_wait3A_1107] : memref<6x!tpu.dma_semaphore, #tpu.memory_space<semaphore_mem>> -> memref<1x!tpu.dma_semaphore, #tpu.memory_space<semaphore_mem>>
    %dma_wait3A_1109 = tpu.memref_squeeze %dma_wait3A_1108 : memref<1x!tpu.dma_semaphore, #tpu.memory_space<semaphore_mem>> -> memref<!tpu.dma_semaphore, #tpu.memory_space<semaphore_mem>>
    %dma_wait3A_1110 = arith.constant 9216 : i32
    %dma_wait3A_1111 = arith.constant 0 : i32
    %dma_wait3A_1112 = tpu.memref_slice %arg9[%dma_wait3A_1110, %dma_wait3A_1111] : memref<16384x128xf32, #tpu.memory_space<any>> -> memref<1024x128xf32, #tpu.memory_space<any>>
    %dma_wait3A_1113 = arith.constant 0 : i32
    %dma_wait3A_1114 = arith.constant 0 : i32
    %dma_wait3A_1115 = tpu.memref_slice %arg11[%dma_wait3A_1106, %dma_wait3A_1113, %dma_wait3A_1114] : memref<6x1024x128xf32, #tpu.memory_space<vmem>> -> memref<1x1024x128xf32, #tpu.memory_space<vmem>>
    %dma_wait3A_1116 = tpu.memref_squeeze %dma_wait3A_1115 : memref<1x1024x128xf32, #tpu.memory_space<vmem>> -> memref<1024x128xf32, #tpu.memory_space<vmem>>
    tpu.wait_dma2 semaphore(%dma_wait3A_1109 : memref<!tpu.dma_semaphore, #tpu.memory_space<semaphore_mem>>) src(%dma_wait3A_1116 : memref<1024x128xf32, #tpu.memory_space<vmem>>) dst(%dma_wait3A_1112 : memref<1024x128xf32, #tpu.memory_space<any>>)
    %add3A_1117 = vector.broadcast %add3A : vector<1x128xf32> to vector<1024x128xf32>
    %add3A_1118 = arith.addf %add3A_1105, %add3A_1117 : vector<1024x128xf32>
    %swap3A_1119 = arith.constant 3 : index
    %swap3A_1120 = arith.constant 0 : index
    %swap3A_1121 = arith.constant 0 : index
    %swap3A_1122 = vector.load %arg11[%swap3A_1119, %swap3A_1120, %swap3A_1121] : memref<6x1024x128xf32, #tpu.memory_space<vmem>>, vector<1x1024x128xf32>
    %swap3A_1123 = vector.shape_cast %swap3A_1122 : vector<1x1024x128xf32> to vector<1024x128xf32>
    %swap3A_1124 = vector.shape_cast %add3A_1118 : vector<1024x128xf32> to vector<1x1024x128xf32>
    tpu.vector_store %arg11[%swap3A_1119, %swap3A_1120, %swap3A_1121], %swap3A_1124 {strides = array<i32>} : memref<6x1024x128xf32, #tpu.memory_space<vmem>>, vector<1x1024x128xf32>,
    %dma_start3A_1125 = arith.constant 3 : i32
    %dma_start3A_1126 = arith.constant 3 : i32
    %dma_start3A_1127 = tpu.memref_slice %arg13[%dma_start3A_1126] : memref<6x!tpu.dma_semaphore, #tpu.memory_space<semaphore_mem>> -> memref<1x!tpu.dma_semaphore, #tpu.memory_space<semaphore_mem>>
    %dma_start3A_1128 = tpu.memref_squeeze %dma_start3A_1127 : memref<1x!tpu.dma_semaphore, #tpu.memory_space<semaphore_mem>> -> memref<!tpu.dma_semaphore, #tpu.memory_space<semaphore_mem>>
    %dma_start3A_1129 = arith.constant 15360 : i32
    %dma_start3A_1130 = arith.constant 0 : i32
    %dma_start3A_1131 = tpu.memref_slice %arg9[%dma_start3A_1129, %dma_start3A_1130] : memref<16384x128xf32, #tpu.memory_space<any>> -> memref<1024x128xf32, #tpu.memory_space<any>>
    %dma_start3A_1132 = arith.constant 0 : i32
    %dma_start3A_1133 = arith.constant 0 : i32
    %dma_start3A_1134 = tpu.memref_slice %arg11[%dma_start3A_1125, %dma_start3A_1132, %dma_start3A_1133] : memref<6x1024x128xf32, #tpu.memory_space<vmem>> -> memref<1x1024x128xf32, #tpu.memory_space<vmem>>
    %dma_start3A_1135 = tpu.memref_squeeze %dma_start3A_1134 : memref<1x1024x128xf32, #tpu.memory_space<vmem>> -> memref<1024x128xf32, #tpu.memory_space<vmem>>
    tpu.enqueue_dma source(%dma_start3A_1135 : memref<1024x128xf32, #tpu.memory_space<vmem>>) target(%dma_start3A_1131 : memref<1024x128xf32, #tpu.memory_space<any>>) target_semaphore(%dma_start3A_1128 : memref<!tpu.dma_semaphore, #tpu.memory_space<semaphore_mem>>)
    %dma_wait3A_1136 = arith.constant 4 : i32
    %dma_wait3A_1137 = arith.constant 4 : i32
    %dma_wait3A_1138 = tpu.memref_slice %arg13[%dma_wait3A_1137] : memref<6x!tpu.dma_semaphore, #tpu.memory_space<semaphore_mem>> -> memref<1x!tpu.dma_semaphore, #tpu.memory_space<semaphore_mem>>
    %dma_wait3A_1139 = tpu.memref_squeeze %dma_wait3A_1138 : memref<1x!tpu.dma_semaphore, #tpu.memory_space<semaphore_mem>> -> memref<!tpu.dma_semaphore, #tpu.memory_space<semaphore_mem>>
    %dma_wait3A_1140 = arith.constant 10240 : i32
    %dma_wait3A_1141 = arith.constant 0 : i32
    %dma_wait3A_1142 = tpu.memref_slice %arg9[%dma_wait3A_1140, %dma_wait3A_1141] : memref<16384x128xf32, #tpu.memory_space<any>> -> memref<1024x128xf32, #tpu.memory_space<any>>
    %dma_wait3A_1143 = arith.constant 0 : i32
    %dma_wait3A_1144 = arith.constant 0 : i32
    %dma_wait3A_1145 = tpu.memref_slice %arg11[%dma_wait3A_1136, %dma_wait3A_1143, %dma_wait3A_1144] : memref<6x1024x128xf32, #tpu.memory_space<vmem>> -> memref<1x1024x128xf32, #tpu.memory_space<vmem>>
    %dma_wait3A_1146 = tpu.memref_squeeze %dma_wait3A_1145 : memref<1x1024x128xf32, #tpu.memory_space<vmem>> -> memref<1024x128xf32, #tpu.memory_space<vmem>>
    tpu.wait_dma2 semaphore(%dma_wait3A_1139 : memref<!tpu.dma_semaphore, #tpu.memory_space<semaphore_mem>>) src(%dma_wait3A_1146 : memref<1024x128xf32, #tpu.memory_space<vmem>>) dst(%dma_wait3A_1142 : memref<1024x128xf32, #tpu.memory_space<any>>)
    %dma_wait3A_1147 = arith.constant 5 : i32
    %dma_wait3A_1148 = arith.constant 5 : i32
    %dma_wait3A_1149 = tpu.memref_slice %arg13[%dma_wait3A_1148] : memref<6x!tpu.dma_semaphore, #tpu.memory_space<semaphore_mem>> -> memref<1x!tpu.dma_semaphore, #tpu.memory_space<semaphore_mem>>
    %dma_wait3A_1150 = tpu.memref_squeeze %dma_wait3A_1149 : memref<1x!tpu.dma_semaphore, #tpu.memory_space<semaphore_mem>> -> memref<!tpu.dma_semaphore, #tpu.memory_space<semaphore_mem>>
    %dma_wait3A_1151 = arith.constant 11264 : i32
    %dma_wait3A_1152 = arith.constant 0 : i32
    %dma_wait3A_1153 = tpu.memref_slice %arg9[%dma_wait3A_1151, %dma_wait3A_1152] : memref<16384x128xf32, #tpu.memory_space<any>> -> memref<1024x128xf32, #tpu.memory_space<any>>
    %dma_wait3A_1154 = arith.constant 0 : i32
    %dma_wait3A_1155 = arith.constant 0 : i32
    %dma_wait3A_1156 = tpu.memref_slice %arg11[%dma_wait3A_1147, %dma_wait3A_1154, %dma_wait3A_1155] : memref<6x1024x128xf32, #tpu.memory_space<vmem>> -> memref<1x1024x128xf32, #tpu.memory_space<vmem>>
    %dma_wait3A_1157 = tpu.memref_squeeze %dma_wait3A_1156 : memref<1x1024x128xf32, #tpu.memory_space<vmem>> -> memref<1024x128xf32, #tpu.memory_space<vmem>>
    tpu.wait_dma2 semaphore(%dma_wait3A_1150 : memref<!tpu.dma_semaphore, #tpu.memory_space<semaphore_mem>>) src(%dma_wait3A_1157 : memref<1024x128xf32, #tpu.memory_space<vmem>>) dst(%dma_wait3A_1153 : memref<1024x128xf32, #tpu.memory_space<any>>)
    %dma_wait3A_1158 = arith.constant 0 : i32
    %dma_wait3A_1159 = arith.constant 0 : i32
    %dma_wait3A_1160 = tpu.memref_slice %arg13[%dma_wait3A_1159] : memref<6x!tpu.dma_semaphore, #tpu.memory_space<semaphore_mem>> -> memref<1x!tpu.dma_semaphore, #tpu.memory_space<semaphore_mem>>
    %dma_wait3A_1161 = tpu.memref_squeeze %dma_wait3A_1160 : memref<1x!tpu.dma_semaphore, #tpu.memory_space<semaphore_mem>> -> memref<!tpu.dma_semaphore, #tpu.memory_space<semaphore_mem>>
    %dma_wait3A_1162 = arith.constant 12288 : i32
    %dma_wait3A_1163 = arith.constant 0 : i32
    %dma_wait3A_1164 = tpu.memref_slice %arg9[%dma_wait3A_1162, %dma_wait3A_1163] : memref<16384x128xf32, #tpu.memory_space<any>> -> memref<1024x128xf32, #tpu.memory_space<any>>
    %dma_wait3A_1165 = arith.constant 0 : i32
    %dma_wait3A_1166 = arith.constant 0 : i32
    %dma_wait3A_1167 = tpu.memref_slice %arg11[%dma_wait3A_1158, %dma_wait3A_1165, %dma_wait3A_1166] : memref<6x1024x128xf32, #tpu.memory_space<vmem>> -> memref<1x1024x128xf32, #tpu.memory_space<vmem>>
    %dma_wait3A_1168 = tpu.memref_squeeze %dma_wait3A_1167 : memref<1x1024x128xf32, #tpu.memory_space<vmem>> -> memref<1024x128xf32, #tpu.memory_space<vmem>>
    tpu.wait_dma2 semaphore(%dma_wait3A_1161 : memref<!tpu.dma_semaphore, #tpu.memory_space<semaphore_mem>>) src(%dma_wait3A_1168 : memref<1024x128xf32, #tpu.memory_space<vmem>>) dst(%dma_wait3A_1164 : memref<1024x128xf32, #tpu.memory_space<any>>)
    %dma_wait3A_1169 = arith.constant 1 : i32
    %dma_wait3A_1170 = arith.constant 1 : i32
    %dma_wait3A_1171 = tpu.memref_slice %arg13[%dma_wait3A_1170] : memref<6x!tpu.dma_semaphore, #tpu.memory_space<semaphore_mem>> -> memref<1x!tpu.dma_semaphore, #tpu.memory_space<semaphore_mem>>
    %dma_wait3A_1172 = tpu.memref_squeeze %dma_wait3A_1171 : memref<1x!tpu.dma_semaphore, #tpu.memory_space<semaphore_mem>> -> memref<!tpu.dma_semaphore, #tpu.memory_space<semaphore_mem>>
    %dma_wait3A_1173 = arith.constant 13312 : i32
    %dma_wait3A_1174 = arith.constant 0 : i32
    %dma_wait3A_1175 = tpu.memref_slice %arg9[%dma_wait3A_1173, %dma_wait3A_1174] : memref<16384x128xf32, #tpu.memory_space<any>> -> memref<1024x128xf32, #tpu.memory_space<any>>
    %dma_wait3A_1176 = arith.constant 0 : i32
    %dma_wait3A_1177 = arith.constant 0 : i32
    %dma_wait3A_1178 = tpu.memref_slice %arg11[%dma_wait3A_1169, %dma_wait3A_1176, %dma_wait3A_1177] : memref<6x1024x128xf32, #tpu.memory_space<vmem>> -> memref<1x1024x128xf32, #tpu.memory_space<vmem>>
    %dma_wait3A_1179 = tpu.memref_squeeze %dma_wait3A_1178 : memref<1x1024x128xf32, #tpu.memory_space<vmem>> -> memref<1024x128xf32, #tpu.memory_space<vmem>>
    tpu.wait_dma2 semaphore(%dma_wait3A_1172 : memref<!tpu.dma_semaphore, #tpu.memory_space<semaphore_mem>>) src(%dma_wait3A_1179 : memref<1024x128xf32, #tpu.memory_space<vmem>>) dst(%dma_wait3A_1175 : memref<1024x128xf32, #tpu.memory_space<any>>)
    %dma_wait3A_1180 = arith.constant 2 : i32
    %dma_wait3A_1181 = arith.constant 2 : i32
    %dma_wait3A_1182 = tpu.memref_slice %arg13[%dma_wait3A_1181] : memref<6x!tpu.dma_semaphore, #tpu.memory_space<semaphore_mem>> -> memref<1x!tpu.dma_semaphore, #tpu.memory_space<semaphore_mem>>
    %dma_wait3A_1183 = tpu.memref_squeeze %dma_wait3A_1182 : memref<1x!tpu.dma_semaphore, #tpu.memory_space<semaphore_mem>> -> memref<!tpu.dma_semaphore, #tpu.memory_space<semaphore_mem>>
    %dma_wait3A_1184 = arith.constant 14336 : i32
    %dma_wait3A_1185 = arith.constant 0 : i32
    %dma_wait3A_1186 = tpu.memref_slice %arg9[%dma_wait3A_1184, %dma_wait3A_1185] : memref<16384x128xf32, #tpu.memory_space<any>> -> memref<1024x128xf32, #tpu.memory_space<any>>
    %dma_wait3A_1187 = arith.constant 0 : i32
    %dma_wait3A_1188 = arith.constant 0 : i32
    %dma_wait3A_1189 = tpu.memref_slice %arg11[%dma_wait3A_1180, %dma_wait3A_1187, %dma_wait3A_1188] : memref<6x1024x128xf32, #tpu.memory_space<vmem>> -> memref<1x1024x128xf32, #tpu.memory_space<vmem>>
    %dma_wait3A_1190 = tpu.memref_squeeze %dma_wait3A_1189 : memref<1x1024x128xf32, #tpu.memory_space<vmem>> -> memref<1024x128xf32, #tpu.memory_space<vmem>>
    tpu.wait_dma2 semaphore(%dma_wait3A_1183 : memref<!tpu.dma_semaphore, #tpu.memory_space<semaphore_mem>>) src(%dma_wait3A_1190 : memref<1024x128xf32, #tpu.memory_space<vmem>>) dst(%dma_wait3A_1186 : memref<1024x128xf32, #tpu.memory_space<any>>)
    %dma_wait3A_1191 = arith.constant 3 : i32
    %dma_wait3A_1192 = arith.constant 3 : i32
    %dma_wait3A_1193 = tpu.memref_slice %arg13[%dma_wait3A_1192] : memref<6x!tpu.dma_semaphore, #tpu.memory_space<semaphore_mem>> -> memref<1x!tpu.dma_semaphore, #tpu.memory_space<semaphore_mem>>
    %dma_wait3A_1194 = tpu.memref_squeeze %dma_wait3A_1193 : memref<1x!tpu.dma_semaphore, #tpu.memory_space<semaphore_mem>> -> memref<!tpu.dma_semaphore, #tpu.memory_space<semaphore_mem>>
    %dma_wait3A_1195 = arith.constant 15360 : i32
    %dma_wait3A_1196 = arith.constant 0 : i32
    %dma_wait3A_1197 = tpu.memref_slice %arg9[%dma_wait3A_1195, %dma_wait3A_1196] : memref<16384x128xf32, #tpu.memory_space<any>> -> memref<1024x128xf32, #tpu.memory_space<any>>
    %dma_wait3A_1198 = arith.constant 0 : i32
    %dma_wait3A_1199 = arith.constant 0 : i32
    %dma_wait3A_1200 = tpu.memref_slice %arg11[%dma_wait3A_1191, %dma_wait3A_1198, %dma_wait3A_1199] : memref<6x1024x128xf32, #tpu.memory_space<vmem>> -> memref<1x1024x128xf32, #tpu.memory_space<vmem>>
    %dma_wait3A_1201 = tpu.memref_squeeze %dma_wait3A_1200 : memref<1x1024x128xf32, #tpu.memory_space<vmem>> -> memref<1024x128xf32, #tpu.memory_space<vmem>>
    tpu.wait_dma2 semaphore(%dma_wait3A_1194 : memref<!tpu.dma_semaphore, #tpu.memory_space<semaphore_mem>>) src(%dma_wait3A_1201 : memref<1024x128xf32, #tpu.memory_space<vmem>>) dst(%dma_wait3A_1197 : memref<1024x128xf32, #tpu.memory_space<any>>)
    return
  }
}

</mosaic_0001>

<sc_bundles>
// kernel: kernel.4.cloned.1.call-start
scs
__scs_entry_jumppad:
0x0: {  	(pc) =	sbr.rel $0x88, $3  }
0x1: {  	(tag) =	ssettag $0x0;
	lr =	simm.s32 $0x1  }
0x2: {  	[smem:$0x3F97] =	sst lr;
	_ =	strace $0xD0000000  }
0x3: {  	_ = 	snop  }
0x4: {  	_ = 	snop  }
0x5: {  	_ = 	snop  }
0x6: {  	_ = 	snop  }
0x7: {  	_ = 	snop  }
__scs_overlays_trampoline_lowered:
0x8: {  	[smem:$0x3FA6] =	sst s0  }
0x9: {  	[smem:$0x3FA7] =	sst s1  }
0xa: {  	[smem:$0x3FA8] =	sst s2  }
0xb: {  	[smem:$0x3FA9] =	sst s3  }
0xc: {  	[smem:$0x3FAA] =	sst s4  }
0xd: {  	[smem:$0x3FAB] =	sst s5  }
0xe: {  	[smem:$0x3FAC] =	sst s6  }
0xf: {  	[smem:$0x3FAD] =	sst s7  }
0x10: {  	[smem:$0x3FAE] =	sst s8  }
0x11: {  	[smem:$0x3FAF] =	sst s9;
	s0 =	simm.s32 @!p0 $0x0  }
0x12: {  	s1 =	sld [smem:$0x3F95];
	s0 =	simm.s32 @p0 $0x1  }
0x13: {  	[smem:$0x3FB0] =	sst s0;
	s0 =	simm.s32 @!p1 $0x0  }
0x14: {  	s2 =	sld [smem:$0x3F94];
	s0 =	simm.s32 @p1 $0x1  }
0x15: {  	[smem:$0x3FB1] =	sst s0;
	s0 =	simm.s32 @!p2 $0x0  }
0x16: {  	s3 =	sld [smem:$0x3FDB];
	s0 =	simm.s32 @p2 $0x1  }
0x17: {  	s4 =	simm.s32 $0x1BF5;
	[smem:$0x3FB3] =	sst s0  }
0x18: {  	s0 =	sld [smem:$0x3F96];
	_ =	swait.ge [sflag:s4], $0x0  }
0x19: {  	s7 =	sld [smem:$0x3F97]  }
0x1a: {  	s8 =	sadd.s32 $0xFFFFE003, lr  }
0x1b: {  	s9 =	sadd.s32 $0xFFFFFEF7, lr;
	s5 =	simm.s32 $0xFFFFFFFF;
	p2 =	slt.u32 s8, $0xFFFFF086  }
0x1c: {  	p1 =	slt.u32 s9, $0xF7A;
	s5 =	simm.s32 @!p2 $0x0  }
0x1d: {  	s5 =	simm.s32 @p1 $0x1;
	p0 =	seq.s32 s7, s2  }
0x1e: {  	s7 =	smul.u32 @!p0 $0xF7A, s2;
	p2 =	seq.s32 @!p0 s5, $0x0  }
0x1f: {  	s9 =	smul.u32 $0xF7A, s1;
	s8 =	simm.s32 @!p0 $0x1BF5;
	p2 =	por !p2, p0  }
0x20: {  	[sflag:s8] =	ssyncset.s32 @!p0 $0xFFFFF086;
	s6 =	sadd.s32 @!p0 s3, s7;
	s7 =	simm.s32 @!p0 $0x108  }
0x21: {  	s3 =	sadd.s32 s3, s9;
	s6 =	sadd.s32 @!p0 $0x88, s6;
	s7 =	simm.s32 @p2 $0x1082  }
0x22: {  	[simem:s7], [sflag:s8] =	dma.local @!p0 [hbm:s6], $0xF7A  }
0x23: {  	s9 =	sor.u32 $0xD0000000, s2;
	s6 =	simm.s32 $0x108;
	_ =	swait.ge @!p0 [sflag:s8], $0x0  }
0x24: {  	s3 =	sadd.s32 $0x88, s3;
	s6 =	simm.s32 @!p1 $0x1082;
	[sflag:s4] =	ssyncset.s32 $0xFFFFF086  }
0x25: {  	[simem:s6], [sflag:s4] =	dma.local [hbm:s3], $0xF7A  }
0x26: {  	[smem:$0x3F97] =	sst s1;
	(tag) =	ssettag s2;
	_ =	strace s9  }
0x27: {  	s1 =	sld [smem:$0x3FA7]  }
0x28: {  	s2 =	sld [smem:$0x3FA8]  }
0x29: {  	s4 =	sld [smem:$0x3FAA]  }
0x2a: {  	p0 =	seq.s32 s5, $0x0;
	s5 =	sld [smem:$0x3FAB]  }
0x2b: {  	s6 =	sld [smem:$0x3FAC]  }
0x2c: {  	s7 =	sld [smem:$0x3FAD]  }
0x2d: {  	s3 =	simm.s32 $0x108;
	s8 =	sld [smem:$0x3FAE]  }
0x2e: {  	s3 =	simm.s32 @!p0 $0x1082;
	s9 =	sld [smem:$0x3FAF]  }
0x2f: {  	lr =	sadd.s32 s0, s3;
	s0 =	sld [smem:$0x3FA6]  }
0x30: {  	s3 =	sld [smem:$0x3FA9]  }
0x31: {  	[smem:$0x3FB2] =	sst s10  }
0x32: {  	s10 =	sld [smem:$0x3FB0];
	_ =	sdelay $0x3  }
0x33: {  	p0 =	seq.s32 s10, $0x1;
	s10 =	sld [smem:$0x3FB2];
	_ =	sdelay $0x3  }
0x34: {  	[smem:$0x3FB2] =	sst s10  }
0x35: {  	s10 =	sld [smem:$0x3FB1];
	_ =	sdelay $0x3  }
0x36: {  	p1 =	seq.s32 s10, $0x1;
	s10 =	sld [smem:$0x3FB2];
	_ =	sdelay $0x3  }
0x37: {  	[smem:$0x3FB2] =	sst s10  }
0x38: {  	s10 =	sld [smem:$0x3FB3]  }
0x39: {  	_ = 	snop;
	(pc) =	sbr.ind lr, $3  }
0x3a: {  	_ = 	snop  }
0x3b: {  	_ = 	snop  }
0x3c: {  	p2 =	seq.s32 s10, $0x1;
	s10 =	sld [smem:$0x3FB2]  }
0x3d: {  	_ =	shalt  }
0x3e: {  	_ =	shalt  }
0x3f: {  	_ =	shalt  }
0x40: {  	_ =	shalt  }
0x41: {  	_ =	shalt  }
0x42: {  	_ =	shalt  }
0x43: {  	_ =	shalt  }
0x44: {  	_ =	shalt  }
0x45: {  	_ =	shalt  }
0x46: {  	_ =	shalt  }
0x47: {  	_ =	shalt  }
0x48: {  	_ =	shalt  }
0x49: {  	_ =	shalt  }
0x4a: {  	_ =	shalt  }
0x4b: {  	_ =	shalt  }
0x4c: {  	_ =	shalt  }
0x4d: {  	_ =	shalt  }
0x4e: {  	_ =	shalt  }
0x4f: {  	_ =	shalt  }
0x50: {  	_ =	shalt  }
0x51: {  	_ =	shalt  }
0x52: {  	_ =	shalt  }
0x53: {  	_ =	shalt  }
0x54: {  	_ =	shalt  }
0x55: {  	_ =	shalt  }
0x56: {  	_ =	shalt  }
0x57: {  	_ =	shalt  }
0x58: {  	_ =	shalt  }
0x59: {  	_ =	shalt  }
0x5a: {  	_ =	shalt  }
0x5b: {  	_ =	shalt  }
0x5c: {  	_ =	shalt  }
0x5d: {  	_ =	shalt  }
0x5e: {  	_ =	shalt  }
0x5f: {  	_ =	shalt  }
0x60: {  	_ =	shalt  }
0x61: {  	_ =	shalt  }
0x62: {  	_ =	shalt  }
0x63: {  	_ =	shalt  }
0x64: {  	_ =	shalt  }
0x65: {  	_ =	shalt  }
0x66: {  	_ =	shalt  }
0x67: {  	_ =	shalt  }
0x68: {  	_ =	shalt  }
0x69: {  	_ =	shalt  }
0x6a: {  	_ =	shalt  }
0x6b: {  	_ =	shalt  }
0x6c: {  	_ =	shalt  }
0x6d: {  	_ =	shalt  }
0x6e: {  	_ =	shalt  }
0x6f: {  	_ =	shalt  }
0x70: {  	_ =	shalt  }
0x71: {  	_ =	shalt  }
0x72: {  	_ =	shalt  }
0x73: {  	_ =	shalt  }
0x74: {  	_ =	shalt  }
0x75: {  	_ =	shalt  }
0x76: {  	_ =	shalt  }
0x77: {  	_ =	shalt  }
0x78: {  	_ =	shalt  }
0x79: {  	_ =	shalt  }
0x7a: {  	_ =	shalt  }
0x7b: {  	_ =	shalt  }
0x7c: {  	_ =	shalt  }
0x7d: {  	_ =	shalt  }
0x7e: {  	_ =	shalt  }
0x7f: {  	_ =	shalt  }
0x80: {  	_ =	shalt  }
0x81: {  	_ =	shalt  }
0x82: {  	_ =	shalt  }
0x83: {  	_ =	shalt  }
0x84: {  	_ =	shalt  }
0x85: {  	_ =	shalt  }
0x86: {  	_ =	shalt  }
0x87: {  	_ =	shalt  }
.Lfunc_end0:
.L_simem_size_0:
called_computation_lowered:
.L_overlay_start_0:
0x88: {  	s2 =	sld [smem:$0x3FD9]  }
0x89: {  	s3 =	sld [smem:$0x3FFE];
	_ =	sdelay $0x1  }
0x8a: {  	s1 =	srdreg.scid  }
0x8b: {  	s0 =	sand.u32 $0x1, s1  }
0x8c: {  	s18 =	sshll.u32 s0, $0xA;
	s2 =	sadd.s32 s3, s2  }
0x8d: {  	s2 =	sadd.s32 s2, s18  }
0x8e: {  	[smem:$0x3FBE] =	sst s2  }
0x8f: {  	_ = 	snop  }
0x90: {  	s2 =	sld [smem:$0x3FC9]  }
0x91: {  	s19 =	sld [smem:$0x3FC7]  }
0x92: {  	s4 =	sld [smem:$0x3FD0];
	(tm) =	ssettm $0x1  }
0x93: {  	s5 =	sld [smem:$0x3FFB];
	_ =	sdelay $0x3  }
0x94: {  	_ =	strace s5  }
0x95: {  	s5 =	sld [smem:$0x3FFC];
	_ =	sdelay $0x3  }
0x96: {  	_ =	strace s5  }
0x97: {  	s5 =	sld [smem:$0x3FFD];
	_ =	sdelay $0x3  }
0x98: {  	_ =	strace s5  }
0x99: {  	_ =	strace $0x8FFFFFFF  }
0x9a: {  	s20 =	sld [smem:$0x3FDB];
	_ =	sdelay $0x1  }
0x9b: {  	s6 =	simm.s32 $_scs_section_size  }
0x9c: {  	s7 =	simm.s32 $_size__tile_overlayer_lowered;
	s8 =	simm.s32 $_tile_overlayer_lowered  }
0x9d: {  	s23 =	simm.s32 $0x1BFF;
	s22 =	sshll.u32 s8, $0x1;
	s5 =	sadd.s32 s6, s20  }
0x9e: {  	s9 =	simm.s32 $0x0;
	s21 =	sshll.u32 s7, $0x1;
	s7 =	sadd.s32 s22, s5  }
0x9f: {  	[timem:s9], [sflag:s23] =	dma.local [hbm:s7], s21  }
0xa0: {  	_ =	swait.ge [sflag:s23], s21  }
0xa1: {  	s6 =	ssub.s32 $0x0, s21;
	[sflag:s23] =	ssyncset.done $0x0  }
0xa2: {  	[sflag:s23] =	ssyncadd.s32 s6;
	_ =	sdelay $0x1  }
0xa3: {  	s24 =	simm.s32 $0x1B8B  }
0xa4: {  	_ =	swait.ge [sflag:s24], $0x1  }
0xa5: {  	[sflag:s24] =	ssyncset.done $0x0  }
0xa6: {  	s25 =	simm.s32 $0x1B8E;
	[sflag:s24] =	ssyncadd.s32 $0xFFFFFFFF  }
0xa7: {  	s26 =	simm.s32 $execute0_lowered;
	[smem:$0x3FD2] =	sst s25  }
0xa8: {  	s6 =	sshll.u32 s26, $0x1;
	_ =	strace $0x80000046;
	[dreg:$0x1] =	wrdreg $0xFFFFFFFF  }
0xa9: {  	s28 =	simm.s32 $_size_execute0_lowered;
	s5 =	sadd.s32 s5, s6;
	[dreg:$0x0] =	wrdreg $0x0  }
0xaa: {  	s6 =	sshll.u32 s28, $0x1;
	[dreg:$0x2] =	wrdreg s5  }
0xab: {  	[dreg:$0x3] =	wrdreg s6  }
0xac: {  	[dreg:$0x4] =	wrdreg $0xC0  }
0xad: {  	_ =	task [dreg:s9], $0x5FFFF  }
0xae: {  	[dreg:$0x1] =	wrdreg $0xFFFFFFFF  }
0xaf: {  	[dreg:$0x0] =	wrdreg $0x60  }
0xb0: {  	[dreg:$0x2] =	wrdreg s19  }
0xb1: {  	[dreg:$0x3] =	wrdreg s2  }
0xb2: {  	[dreg:$0x4] =	wrdreg s4  }
0xb3: {  	[dreg:$0x5] =	wrdreg $0x9  }
0xb4: {  	_ =	task.clear_ibuf [dreg:s9], $0x6FFFF;
	_ =	strace $0x90000046  }
0xb5: {  	s29 =	simm.s32 $0x9;
	_ =	strace $0x80000048  }
0xb6: {  	_ =	swait.ge [sflag:s29], $0x1  }
0xb7: {  	[sflag:s29] =	ssyncadd.s32 $0xFFFFFFFF  }
0xb8: {  	_ =	strace $0x90000048  }
0xb9: {  	_ =	sfence  }
0xba: {  	s30 =	sld [smem:$0x0];
	_ =	sdelay $0x2  }
0xbb: {  	s31 =	sshll.u32 s1, $0xD;
	s1 =	sshrl.u32 s1, $0x2  }
0xbc: {  	s3 =	sand.u32 $0x4000, s31;
	s1 =	sadd.s32 s1, s30  }
0xbd: {  	s0 =	sor.u32 s3, s0;
	s1 =	sshll.u32 s1, $0x11  }
0xbe: {  	s0 =	sor.u32 s1, s0  }
0xbf: {  	s0 =	sadd.s32 $0x8F2B, s0  }
0xc0: {  	[sflag:s0] =	ssyncadd.remote.s32 $0x1  }
0xc1: {  	_ =	sfence.sel $0xFFFF  }
0xc2: {  	[dreg:$0x0] =	wrdreg $0xFFFFFFFF;
	(pc) =	sbr.abs _section_cstart, $3  }
0xc3: {  	[dreg:$0x1] =	wrdreg $0xFFFFFFFF  }
0xc4: {  	_ =	task.clear_ibuf [dreg:s9], $0x2FFFF;
	_ =	strace $0x9FFFFFFF  }
0xc5: {  	(tm) =	ssettm $0x7FFFFFFF  }
tec
execute0_lowered:
.L_overlay_start_1:
0x0: {  	(tag) =	ssettag $0x1  }
0x1: {  	s1 =	rddreg [dreg:$0x0];
	s2 =	srdreg.scid  }
0x2: {  	s4 =	rddreg [dreg:$0x1];
	s0 =	stileid.u32;
	s14 =	sand.u32 $0x1, s2  }
0x3: {  	s15 =	rddreg [dreg:$0x2];
	s5 =	sshll.u32 s0, $0xA;
	s6 =	sshll.u32 s14, $0x9  }
0x4: {  	s3 =	simm.s32 $0x0;
	s2 =	rddreg [dreg:$0x3];
	s16 =	sor.u32 s6, s5  }
0x5: {  	[smem:$0x7FF] =	sst s3;
	s5 =	sshrl.u32 s16, $0x3  }
0x6: {  	_ =	strace $0x80000047;
	s5 =	sadd.s32 s4, s5;
	s4 =	simm.s32 $0x2  }
0x7: {  	[tilespmem:s3], [sflag:$0x2] =	stream.linear.gather [hbm4b:s5+s3], $0x200, $0x38;
	[tilespmem:$0x10200] =	vst v63  }
0x8: {  	_ =	swait.ge [sflag:s4], $0x200  }
0x9: {  	[sflag:s4] =	ssyncset.done $0x0  }
0xa: {  	s7 =	simm.s32 $0x200;
	s6 =	simm.s32 $0x80;
	[sflag:s4] =	ssyncadd.s32 $0xFFFFFE00  }
0xb: {  	[tilespmem:s7], [sflag:$0x1] =	stream.indirect.gather [hbm4b:s1+s6], $0x80, s3, s6, $0xb8;
	[tilespmem:$0x10200] =	vst v63  }
0xc: {  	s8 =	simm.s32 $0x4200  }
0xd: {  	[tilespmem:s8], [sflag:$0x1] =	stream.indirect.gather [hbm4b:s1+s6], $0x80, s6, s6, $0xb8;
	[tilespmem:$0x10200] =	vst v63  }
0xe: {  	s9 =	simm.s32 $0x100;
	s10 =	simm.s32 $0x8200  }
0xf: {  	[tilespmem:s10], [sflag:$0x1] =	stream.indirect.gather [hbm4b:s1+s6], $0x80, s9, s6, $0xb8;
	[tilespmem:$0x10200] =	vst v63  }
0x10: {  	s11 =	simm.s32 $0x180;
	s12 =	simm.s32 $0xC200;
	s13 =	simm.s32 $0x1  }
0x11: {  	[tilespmem:s12], [sflag:$0x1] =	stream.indirect.gather [hbm4b:s1+s6], $0x80, s11, s6, $0xb8;
	[tilespmem:$0x10200] =	vst v63  }
0x12: {  	_ =	swait.ge [sflag:s13], $0x4000  }
0x13: {  	[sflag:s13] =	ssyncset.done $0x0  }
0x14: {  	[sflag:s13] =	ssyncadd.s32 $0xFFFFC000  }
0x15: {  	_ =	swait.ge [sflag:s13], $0x4000  }
0x16: {  	[sflag:s13] =	ssyncset.done $0x0  }
0x17: {  	s14 =	ssub.s32 $0x2, s14;
	[sflag:s13] =	ssyncadd.s32 $0xFFFFC000  }
0x18: {  	s17 =	sshrl.u32 s14, $0x1;
	_ =	swait.ge [sflag:s13], $0x4000  }
0x19: {  	s17 =	ssub.s32 s14, s17;
	[sflag:s13] =	ssyncset.done $0x0  }
0x1a: {  	s31 =	smax.u32 s17, $0x1;
	[sflag:s13] =	ssyncadd.s32 $0xFFFFC000  }
0x1b: {  	p0 =	sne.s32 s31, $0x1;
	_ =	swait.ge [sflag:s13], $0x4000  }
.Ltmp0:
0x1c: {  	s30 =	sshll.u32 s16, $0x4;
	[sflag:s13] =	ssyncset.done $0x0;
	(pc) =	sbr.rel @!p0 .LBB2_2-.Ltmp0, $4  }
0x1d: {  	s14 =	sadd.s32 s15, s30;
	[sflag:s13] =	ssyncadd.s32 $0xFFFFC000  }
0x1e: {  	[hbm4b:s14+s3] =	stream.linear.scatter [tilespmem:s7], [sflag:$0x2], $0x10000, $0x38;
	[tilespmem:$0x10200] =	vst v63  }
0x1f: {  	_ =	swait.ge [sflag:s4], $0x10000  }
0x20: {  	s15 =	sadd.s32 $0xFFFFFFFF, s31;
	[sflag:s4] =	ssyncset.done $0x0  }
.LBB2_1:
0x21: {  	p0 =	sne.s32 s15, $0x1;
	s15 =	sadd.s32 $0xFFFFFFFF, s15;
	[sflag:s4] =	ssyncadd.s32 $0xFFFF0000  }
0x22: {  	[tilespmem:s3], [sflag:$0x2] =	stream.linear.gather [hbm4b:s5+s3], $0x200, $0x38;
	[tilespmem:$0x10200] =	vst v63  }
0x23: {  	_ =	swait.ge [sflag:s4], $0x200  }
0x24: {  	[sflag:s4] =	ssyncset.done $0x0  }
0x25: {  	[sflag:s4] =	ssyncadd.s32 $0xFFFFFE00  }
0x26: {  	[tilespmem:s7], [sflag:$0x1] =	stream.indirect.gather [hbm4b:s1+s6], $0x80, s3, s6, $0xb8;
	[tilespmem:$0x10200] =	vst v63  }
0x27: {  	_ = 	snop  }
0x28: {  	[tilespmem:s8], [sflag:$0x1] =	stream.indirect.gather [hbm4b:s1+s6], $0x80, s6, s6, $0xb8;
	[tilespmem:$0x10200] =	vst v63  }
0x29: {  	_ = 	snop  }
0x2a: {  	[tilespmem:s10], [sflag:$0x1] =	stream.indirect.gather [hbm4b:s1+s6], $0x80, s9, s6, $0xb8;
	[tilespmem:$0x10200] =	vst v63  }
0x2b: {  	_ = 	snop  }
0x2c: {  	[tilespmem:s12], [sflag:$0x1] =	stream.indirect.gather [hbm4b:s1+s6], $0x80, s11, s6, $0xb8;
	[tilespmem:$0x10200] =	vst v63  }
0x2d: {  	_ =	swait.ge [sflag:s13], $0x4000  }
0x2e: {  	[sflag:s13] =	ssyncset.done $0x0  }
0x2f: {  	[sflag:s13] =	ssyncadd.s32 $0xFFFFC000  }
0x30: {  	_ =	swait.ge [sflag:s13], $0x4000  }
0x31: {  	[sflag:s13] =	ssyncset.done $0x0  }
0x32: {  	[sflag:s13] =	ssyncadd.s32 $0xFFFFC000  }
0x33: {  	_ =	swait.ge [sflag:s13], $0x4000  }
0x34: {  	[sflag:s13] =	ssyncset.done $0x0  }
0x35: {  	[sflag:s13] =	ssyncadd.s32 $0xFFFFC000  }
0x36: {  	_ =	swait.ge [sflag:s13], $0x4000  }
.Ltmp1:
0x37: {  	[sflag:s13] =	ssyncset.done $0x0;
	(pc) =	sbr.rel @p0 .LBB2_1-.Ltmp1, $4  }
0x38: {  	[sflag:s13] =	ssyncadd.s32 $0xFFFFC000  }
0x39: {  	[hbm4b:s14+s3] =	stream.linear.scatter [tilespmem:s7], [sflag:$0x2], $0x10000, $0x38;
	[tilespmem:$0x10200] =	vst v63  }
0x3a: {  	_ =	swait.ge [sflag:s4], $0x10000  }
0x3b: {  	[sflag:s4] =	ssyncset.done $0x0  }
.LBB2_2:
0x3c: {  	[sflag:s4] =	ssyncadd.s32 $0xFFFF0000  }
0x3d: {  	_ =	sfence.sel $0x180000  }
0x3e: {  	[bflag:$0x0] =	sbarrier.arrive $0xFFFF  }
0x3f: {  	p0 =	sne.s32 s0, $0x0;
	_ =	strace $0x90000047  }
0x40: {  	s0 =	sadd.s32 @!p0 $0x100000, s2;
	[bflag:$0x2] =	sbarrier.arrive $0xFFFF  }
0x41: {  	[sflag:s0] =	ssyncadd.tile.s32 @!p0 $0x1;
	_ =	shalt  }
.Lfunc_end2:
_tile_overlayer_lowered:
.L_overlay_start_2:
0x42: {  	(tag) =	ssettag $0x2  }
0x43: {  	s0 =	rddreg [dreg:$0x0];
	s2 =	stileid.u32  }
0x44: {  	s1 =	rddreg [dreg:$0x1];
	p0 =	sne.s32 s2, $0x0  }
0x45: {  	s3 =	rddreg [dreg:$0x2];
	[bflag:$0x3] =	sbarrier.arrive $0xFFFF;
	s2 =	simm.s32 @!p0 $0x1C02  }
0x46: {  	[timem:s3], [sflag:s2] =	dma.local @!p0 [hbm:s0], s1  }
0x47: {  	s0 =	simm.s32 @!p0 $0x2  }
0x48: {  	_ =	swait.ge @!p0 [sflag:s0], s1  }
0x49: {  	s1 =	ssub.s32 @!p0 $0x0, s1;
	[sflag:s0] =	ssyncset.done @!p0 $0x0  }
0x4a: {  	[sflag:s0] =	ssyncadd.s32 @!p0 s1  }
0x4b: {  	[bflag:$0x3] =	sbarrier.arrive $0xFFFF  }
0x4c: {  	_ =	shalt  }

</sc_bundles>
